<compile_context>
chip_gen: v7x
topology: tpu7x:2x2x1
jax: 0.10.2.dev20260603
libtpu: 0.0.44.dev20260713+nightly
codegen_flags: <defaults>
</compile_context>

<pallas_src>
import jax
import jax.numpy as jnp
from jax import lax
from jax.experimental import pallas as pl
from jax.experimental.pallas import tpu as pltpu
from jax.experimental.pallas import tpu_sc as plsc

N = 10000
E = 160000
F = 128
NC = 2
NS = 16
NW = NC * NS
NP = 10240
RPT = NP // NS
K = 125
EPS = E // NS
NCHUNK = EPS // K
K2 = 125
EPW = E // NW
NCHUNK2 = EPW // K2
RB = 640

import functools as _ft


@_ft.lru_cache(maxsize=None)
def _mesh():
    return plsc.VectorSubcoreMesh(core_axis_name="c", subcore_axis_name="s")


def _sc_agg_body(xab_hbm, ids_hbm, zrow_hbm, out_hbm,
                 ib0, ib1, ib2, ib3, rows0, rows1, acc_sh,
                 gs0, gs1, is0, is1, is2, is3):
    c = lax.axis_index("c")
    s = lax.axis_index("s")
    w = c * NS + s
    rbase = s * RPT
    pltpu.sync_copy(zrow_hbm.at[pl.ds(rbase, RPT)],
                    acc_sh.at[pl.ds(rbase, RPT)])

    ib = (ib0, ib1, ib2, ib3)
    isem = (is0, is1, is2, is3)
    rows = (rows0, rows1)
    gsem = (gs0, gs1)

    for j in range(4):
        pltpu.sync_copy(ids_hbm.at[w, j], ib[j])
    for j in range(2):
        pltpu.async_copy(xab_hbm.at[ib[j].at[0]], rows[j], gsem[j])
    plsc.subcore_barrier()

    @pl.loop(0, NCHUNK, step=4)
    def _(g):
        for j in range(4):
            kk = g + j
            b2 = j % 2
            pltpu.make_async_copy(xab_hbm.at[ib[j].at[0]],
                                  rows[b2], gsem[b2]).wait()
            pltpu.sync_copy(rows[b2], acc_sh.at[ib[j].at[1]], add=True)

            @pl.when(kk + 4 < NCHUNK)
            def _():
                pltpu.async_copy(ids_hbm.at[w, kk + 4], ib[j], isem[j])

            @pl.when(kk + 2 < NCHUNK)
            def _():
                j2 = (j + 2) % 4

                @pl.when(kk + 2 >= 4)
                def _():
                    pltpu.make_async_copy(ids_hbm.at[w, kk + 2],
                                          ib[j2], isem[j2]).wait()
                pltpu.async_copy(xab_hbm.at[ib[j2].at[0]], rows[b2], gsem[b2])

    plsc.subcore_barrier()
    pltpu.sync_copy(acc_sh.at[pl.ds(rbase, RPT)],
                    out_hbm.at[pl.ds(c * NP + rbase, RPT)])


@_ft.lru_cache(maxsize=None)
def _sc_agg_k():
  return pl.kernel(
    _sc_agg_body,
    out_type=[jax.ShapeDtypeStruct((2 * NP, F), jnp.float32)],
    mesh=_mesh(),
    scratch_types=[pltpu.VMEM((2, K), jnp.int32),
                   pltpu.VMEM((2, K), jnp.int32),
                   pltpu.VMEM((2, K), jnp.int32),
                   pltpu.VMEM((2, K), jnp.int32),
                   pltpu.VMEM((K, F), jnp.float32),
                   pltpu.VMEM((K, F), jnp.float32),
                   pltpu.VMEM_SHARED((NP, F), jnp.float32),
                   pltpu.SemaphoreType.DMA,
                   pltpu.SemaphoreType.DMA,
                   pltpu.SemaphoreType.DMA,
                   pltpu.SemaphoreType.DMA,
                   pltpu.SemaphoreType.DMA,
                   pltpu.SemaphoreType.DMA],
  )


def _sc_cnt_body(dstw_hbm, zrow_hbm, ones_hbm, out_hbm,
                 dst_all, ones_v, cnt_sh):
    c = lax.axis_index("c")
    s = lax.axis_index("s")
    rbase = s * RPT
    pltpu.sync_copy(ones_hbm, ones_v)
    pltpu.sync_copy(zrow_hbm.at[pl.ds(rbase, RPT)],
                    cnt_sh.at[pl.ds(rbase, RPT)])
    pltpu.sync_copy(dstw_hbm.at[c * NS + s], dst_all)
    plsc.subcore_barrier()

    @pl.loop(0, NCHUNK2)
    def _(kk):
        pltpu.sync_copy(ones_v, cnt_sh.at[dst_all.at[kk]], add=True)

    plsc.subcore_barrier()
    pltpu.sync_copy(cnt_sh.at[pl.ds(rbase, RPT)],
                    out_hbm.at[pl.ds(c * NP + rbase, RPT)])


@_ft.lru_cache(maxsize=None)
def _sc_cnt_k():
  return pl.kernel(
    _sc_cnt_body,
    out_type=[jax.ShapeDtypeStruct((2 * NP, F), jnp.float32)],
    mesh=_mesh(),
    scratch_types=[pltpu.VMEM((NCHUNK2, K2), jnp.int32),
                   pltpu.VMEM((K2, F), jnp.float32),
                   pltpu.VMEM_SHARED((NP, F), jnp.float32)],
  )


def _tc1_body(aggA, aggB, cnt0, cnt1, x, Wl, Wr, b, h1_st):
    inv = 1.0 / jnp.maximum(cnt0[:, :1] + cnt1[:, :1], 1.0)
    wl = Wl[...]
    h = (jnp.dot(aggA[...] * inv, wl[:F], preferred_element_type=jnp.float32)
         + jnp.dot(aggB[...] * inv, wl[F:], preferred_element_type=jnp.float32)
         + jnp.dot(x[...], Wr[...], preferred_element_type=jnp.float32)
         + b[...])
    h1_st[...] = jnp.maximum(h, 0.0)


def _tc1(agg_st, cnt_st, x, Wl, Wr, b):
    nb = NP // RB
    return pl.pallas_call(
        _tc1_body,
        grid=(nb, 2),
        in_specs=[pl.BlockSpec((RB, F), lambda i, j: (i, 0)),
                  pl.BlockSpec((RB, F), lambda i, j: (i + nb, 0)),
                  pl.BlockSpec((RB, F), lambda i, j: (i, 0)),
                  pl.BlockSpec((RB, F), lambda i, j: (i + nb, 0)),
                  pl.BlockSpec((RB, 2 * F), lambda i, j: (i, 0)),
                  pl.BlockSpec((2 * F, F), lambda i, j: (0, j)),
                  pl.BlockSpec((2 * F, F), lambda i, j: (0, j)),
                  pl.BlockSpec((F,), lambda i, j: (j,))],
        out_specs=[pl.BlockSpec((RB, F), lambda i, j: (j * nb + i, 0))],
        out_shape=[jax.ShapeDtypeStruct((2 * NP, F), jnp.float32)],
    )(agg_st, agg_st, cnt_st, cnt_st, x, Wl, Wr, b)[0]


def _tc2_body(aggA, aggB, cnt0, cnt1, hA, hB, Wl, Wr, b,
              Wm0, bm0, Wm1, bm1, out):
    inv = 1.0 / jnp.maximum(cnt0[:, :1] + cnt1[:, :1], 1.0)
    wl = Wl[...]
    wr = Wr[...]
    h2 = (jnp.dot(aggA[...] * inv, wl[:F], preferred_element_type=jnp.float32)
          + jnp.dot(aggB[...] * inv, wl[F:], preferred_element_type=jnp.float32)
          + jnp.dot(hA[...], wr[:F], preferred_element_type=jnp.float32)
          + jnp.dot(hB[...], wr[F:], preferred_element_type=jnp.float32)
          + b[...])
    m = jnp.maximum(jnp.dot(h2, Wm0[...], preferred_element_type=jnp.float32)
                    + bm0[...], 0.0)
    o = jnp.dot(m, Wm1[...], preferred_element_type=jnp.float32) + bm1[...]
    o = o - jnp.max(o, axis=1, keepdims=True)
    e = jnp.exp(o)
    out[...] = e / jnp.sum(e, axis=1, keepdims=True)


def _tc2(agg_st, cnt_st, h1_st, Wl, Wr, b, Wm0, bm0, Wm1, bm1):
    nb = NP // RB
    return pl.pallas_call(
        _tc2_body,
        grid=(nb,),
        in_specs=[pl.BlockSpec((RB, F), lambda i: (i, 0)),
                  pl.BlockSpec((RB, F), lambda i: (i + nb, 0)),
                  pl.BlockSpec((RB, F), lambda i: (i, 0)),
                  pl.BlockSpec((RB, F), lambda i: (i + nb, 0)),
                  pl.BlockSpec((RB, F), lambda i: (i, 0)),
                  pl.BlockSpec((RB, F), lambda i: (i + nb, 0)),
                  pl.BlockSpec((2 * F, 2 * F), lambda i: (0, 0)),
                  pl.BlockSpec((2 * F, 2 * F), lambda i: (0, 0)),
                  pl.BlockSpec((2 * F,), lambda i: (0,)),
                  pl.BlockSpec((2 * F, F), lambda i: (0, 0)),
                  pl.BlockSpec((F,), lambda i: (0,)),
                  pl.BlockSpec((F, 64), lambda i: (0, 0)),
                  pl.BlockSpec((64,), lambda i: (0,))],
        out_specs=[pl.BlockSpec((RB, 64), lambda i: (i, 0))],
        out_shape=[jax.ShapeDtypeStruct((N, 64), jnp.float32)],
    )(agg_st, agg_st, cnt_st, cnt_st, h1_st, h1_st, Wl, Wr, b,
      Wm0, bm0, Wm1, bm1)[0]


def kernel(x, edge_index, Wl0, Wr0, b0, Wl1, Wr1, b1, Wm0, bm0, Wm1, bm1):
    src = edge_index[0]
    dst = edge_index[1]
    pad = ((0, NP - N), (0, 0))
    xab = jnp.concatenate([jnp.pad(x[:, :F], pad), jnp.pad(x[:, F:], pad)], 0)
    zrow = jnp.zeros((NP, F), jnp.float32)
    ones2 = jnp.ones((K2, F), jnp.float32)
    srcw = jnp.concatenate([src, src + NP]).reshape(NC, NS, NCHUNK, K)
    dstw4 = jnp.broadcast_to(dst.reshape(1, NS, NCHUNK, K),
                             (NC, NS, NCHUNK, K))
    ids = jnp.stack([srcw, dstw4], axis=3).reshape(NW, NCHUNK, 2, K)
    dstw = dst.reshape(NW, NCHUNK2, K2)

    cnt_st = _sc_cnt_k()(dstw, zrow, ones2)[0]
    agg0_st = _sc_agg_k()(xab, ids, zrow)[0]
    h1_st = _tc1(agg0_st, cnt_st, x, Wl0, Wr0, b0)
    agg1_st = _sc_agg_k()(h1_st, ids, zrow)[0]
    return _tc2(agg1_st, cnt_st, h1_st, Wl1, Wr1, b1, Wm0, bm0, Wm1, bm1)

# --- scband reference (transcript-rebuilt; emitter-appended) ---
"""Pipeline reference for scband-gnnmlp-4131758539237 (READ-ONLY COPY).

The authoritative reference and input builder live on the scoring server;
editing this copy changes nothing except your own understanding.
"""

import jax, jax.numpy as jnp
import numpy as np

N_NODES = 10000
N_EDGES = 160000


def _glorot(key, shape):
    fan_in, fan_out = shape[0], shape[1]
    lim = (6.0 / (fan_in + fan_out)) ** 0.5
    return jax.random.uniform(key, shape, dtype=jnp.float32, minval=-lim, maxval=lim)


def setup_inputs(seed: int = 0) -> dict:
    key = jax.random.key(seed)
    ks = jax.random.split(key, 16)
    x = jax.random.normal(ks[0], (N_NODES, 256), dtype=jnp.float32)
    edge_index = jax.random.randint(ks[1], (2, N_EDGES), 0, N_NODES, dtype=jnp.int64 if jax.config.jax_enable_x64 else jnp.int32).astype(jnp.int32)
    # GNN: SAGEConv layers per gnn_layer_sizes [256, 256, 256] -> 2 layers
    # PyG SAGEConv: out = lin_l(mean_aggr(x_src)) + lin_r(x_root); bias in lin_l
    Wl0 = _glorot(ks[2], (256, 256)); Wr0 = _glorot(ks[3], (256, 256)); b0 = jnp.zeros((256,), jnp.float32)
    Wl1 = _glorot(ks[4], (256, 256)); Wr1 = _glorot(ks[5], (256, 256)); b1 = jnp.zeros((256,), jnp.float32)
    # MLP: Linear layers per mlp_layer_sizes [256, 128, 64] -> 2 layers
    Wm0 = _glorot(ks[6], (256, 128)); bm0 = jnp.zeros((128,), jnp.float32)
    Wm1 = _glorot(ks[7], (128, 64)); bm1 = jnp.zeros((64,), jnp.float32)
    return {"x": x, "edge_index": edge_index,
            "Wl0": Wl0, "Wr0": Wr0, "b0": b0,
            "Wl1": Wl1, "Wr1": Wr1, "b1": b1,
            "Wm0": Wm0, "bm0": bm0, "Wm1": Wm1, "bm1": bm1}


def _sage_conv(h, edge_index, Wl, Wr, b):
    src = edge_index[0]
    dst = edge_index[1]
    msg = jnp.take(h, src, axis=0)
    agg = jax.ops.segment_sum(msg, dst, num_segments=N_NODES)
    cnt = jax.ops.segment_sum(jnp.ones((msg.shape[0],), jnp.float32), dst, num_segments=N_NODES)
    mean = agg / jnp.maximum(cnt, 1.0)[:, None]
    return mean @ Wl + h @ Wr + b


def reference(x, edge_index, Wl0, Wr0, b0, Wl1, Wr1, b1, Wm0, bm0, Wm1, bm1):
    # GNN part (eval mode: dropout is identity); last_layer='linear'
    h = jax.nn.relu(_sage_conv(x, edge_index, Wl0, Wr0, b0))
    h = _sage_conv(h, edge_index, Wl1, Wr1, b1)
    # MLP part; last_layer='softmax'
    h = jax.nn.relu(h @ Wm0 + bm0)
    out = h @ Wm1 + bm1
    return jax.nn.softmax(out, axis=1)

if __name__ == "__main__":
    import jax
    _d = setup_inputs()
    print(jax.jit(kernel)(*tuple(_d.values())))

</pallas_src>

<mosaic_0001>
#map = affine_map<(d0, d1) -> (0, 0)>
#map1 = affine_map<(d0, d1) -> (0, 0, 0, 0)>
module attributes {stable_mosaic.version = 14 : i64} {
  func.func @_sc_agg_body(%arg0: i32, %arg1: i32, %arg2: memref<20480x128xf32, #tpu.memory_space<hbm>>, %arg3: memref<32x80x2x125xi32, #tpu.memory_space<hbm>>, %arg4: memref<10240x128xf32, #tpu.memory_space<hbm>>, %arg5: memref<20480x128xf32, #tpu.memory_space<hbm>>, %arg6: memref<2x125xi32, #tpu.memory_space<vmem>>, %arg7: memref<2x125xi32, #tpu.memory_space<vmem>>, %arg8: memref<2x125xi32, #tpu.memory_space<vmem>>, %arg9: memref<2x125xi32, #tpu.memory_space<vmem>>, %arg10: memref<125x128xf32, #tpu.memory_space<vmem>>, %arg11: memref<125x128xf32, #tpu.memory_space<vmem>>, %arg12: memref<10240x128xf32, #tpu.memory_space<vmem_shared>>, %arg13: memref<!tpu.dma_semaphore, #tpu.memory_space<semaphore_mem>>, %arg14: memref<!tpu.dma_semaphore, #tpu.memory_space<semaphore_mem>>, %arg15: memref<!tpu.dma_semaphore, #tpu.memory_space<semaphore_mem>>, %arg16: memref<!tpu.dma_semaphore, #tpu.memory_space<semaphore_mem>>, %arg17: memref<!tpu.dma_semaphore, #tpu.memory_space<semaphore_mem>>, %arg18: memref<!tpu.dma_semaphore, #tpu.memory_space<semaphore_mem>>) attributes {dimension_semantics = [#tpu.dimension_semantics<core_parallel>, #tpu.dimension_semantics<subcore_parallel>], iteration_bounds = array<i64: 2, 16>, scalar_prefetch = 0 : i64, scratch_operands = 13 : i64, tpu.core_type = #tpu.core_type<sc_vector_subcore>, window_params = [{transform_indices = #map}, {transform_indices = #map1}, {transform_indices = #map}, {transform_indices = #map}]} {
    %mul3A = arith.constant 16 : i32
    %mul3A_0 = arith.muli %arg0, %mul3A : i32
    %add3A = arith.addi %mul3A_0, %arg1 : i32
    %mul3A_1 = arith.constant 640 : i32
    %mul3A_2 = arith.muli %arg1, %mul3A_1 : i32
    "tpu.region"() ({
      %run_scoped3A_27 = tpu.sem_alloc : memref<!tpu.dma_semaphore, #tpu.memory_space<semaphore_mem>>
      %dma_start3A_28 = arith.constant 0 : i32
      %dma_start3A_29 = tpu.memref_slice %arg12[%mul3A_2, %dma_start3A_28] : memref<10240x128xf32, #tpu.memory_space<vmem_shared>> -> memref<640x128xf32, #tpu.memory_space<vmem_shared>>
      %dma_start3A_30 = arith.constant 0 : i32
      %dma_start3A_31 = tpu.memref_slice %arg4[%mul3A_2, %dma_start3A_30] : memref<10240x128xf32, #tpu.memory_space<hbm>> -> memref<640x128xf32, #tpu.memory_space<hbm>>
      tpu.enqueue_dma source(%dma_start3A_31 : memref<640x128xf32, #tpu.memory_space<hbm>>) target(%dma_start3A_29 : memref<640x128xf32, #tpu.memory_space<vmem_shared>>) target_semaphore(%run_scoped3A_27 : memref<!tpu.dma_semaphore, #tpu.memory_space<semaphore_mem>>)
      %dma_wait3A = arith.constant 0 : i32
      %dma_wait3A_32 = tpu.memref_slice %arg12[%mul3A_2, %dma_wait3A] : memref<10240x128xf32, #tpu.memory_space<vmem_shared>> -> memref<640x128xf32, #tpu.memory_space<vmem_shared>>
      %dma_wait3A_33 = arith.constant 0 : i32
      %dma_wait3A_34 = tpu.memref_slice %arg4[%mul3A_2, %dma_wait3A_33] : memref<10240x128xf32, #tpu.memory_space<hbm>> -> memref<640x128xf32, #tpu.memory_space<hbm>>
      tpu.wait_dma2 semaphore(%run_scoped3A_27 : memref<!tpu.dma_semaphore, #tpu.memory_space<semaphore_mem>>) src(%dma_wait3A_34 : memref<640x128xf32, #tpu.memory_space<hbm>>) dst(%dma_wait3A_32 : memref<640x128xf32, #tpu.memory_space<vmem_shared>>)
      tpu.yield
    }) : () -> ()
    %run_scoped3A = arith.constant 0 : i32
    "tpu.region"() ({
      %run_scoped3A_27 = tpu.sem_alloc : memref<!tpu.dma_semaphore, #tpu.memory_space<semaphore_mem>>
      %dma_start3A_28 = arith.constant 0 : i32
      %dma_start3A_29 = arith.constant 0 : i32
      %dma_start3A_30 = tpu.memref_slice %arg3[%add3A, %run_scoped3A, %dma_start3A_28, %dma_start3A_29] : memref<32x80x2x125xi32, #tpu.memory_space<hbm>> -> memref<1x1x2x125xi32, #tpu.memory_space<hbm>>
      %dma_start3A_31 = tpu.memref_squeeze %dma_start3A_30 : memref<1x1x2x125xi32, #tpu.memory_space<hbm>> -> memref<2x125xi32, #tpu.memory_space<hbm>>
      %dma_start3A_32 = arith.constant 0 : i32
      %dma_start3A_33 = arith.constant 0 : i32
      %dma_start3A_34 = tpu.memref_slice %arg3[%add3A, %run_scoped3A, %dma_start3A_32, %dma_start3A_33] : memref<32x80x2x125xi32, #tpu.memory_space<hbm>> -> memref<1x1x2x125xi32, #tpu.memory_space<hbm>>
      %dma_start3A_35 = tpu.memref_squeeze %dma_start3A_34 : memref<1x1x2x125xi32, #tpu.memory_space<hbm>> -> memref<2x125xi32, #tpu.memory_space<hbm>>
      tpu.enqueue_dma source(%dma_start3A_35 : memref<2x125xi32, #tpu.memory_space<hbm>>) target(%arg6 : memref<2x125xi32, #tpu.memory_space<vmem>>) target_semaphore(%run_scoped3A_27 : memref<!tpu.dma_semaphore, #tpu.memory_space<semaphore_mem>>)
      %dma_wait3A = arith.constant 0 : i32
      %dma_wait3A_36 = arith.constant 0 : i32
      %dma_wait3A_37 = tpu.memref_slice %arg3[%add3A, %run_scoped3A, %dma_wait3A, %dma_wait3A_36] : memref<32x80x2x125xi32, #tpu.memory_space<hbm>> -> memref<1x1x2x125xi32, #tpu.memory_space<hbm>>
      %dma_wait3A_38 = tpu.memref_squeeze %dma_wait3A_37 : memref<1x1x2x125xi32, #tpu.memory_space<hbm>> -> memref<2x125xi32, #tpu.memory_space<hbm>>
      %dma_wait3A_39 = arith.constant 0 : i32
      %dma_wait3A_40 = arith.constant 0 : i32
      %dma_wait3A_41 = tpu.memref_slice %arg3[%add3A, %run_scoped3A, %dma_wait3A_39, %dma_wait3A_40] : memref<32x80x2x125xi32, #tpu.memory_space<hbm>> -> memref<1x1x2x125xi32, #tpu.memory_space<hbm>>
      %dma_wait3A_42 = tpu.memref_squeeze %dma_wait3A_41 : memref<1x1x2x125xi32, #tpu.memory_space<hbm>> -> memref<2x125xi32, #tpu.memory_space<hbm>>
      tpu.wait_dma2 semaphore(%run_scoped3A_27 : memref<!tpu.dma_semaphore, #tpu.memory_space<semaphore_mem>>) src(%dma_wait3A_42 : memref<2x125xi32, #tpu.memory_space<hbm>>) dst(%arg6 : memref<2x125xi32, #tpu.memory_space<vmem>>)
      tpu.yield
    }) : () -> ()
    %run_scoped3A_3 = arith.constant 1 : i32
    "tpu.region"() ({
      %run_scoped3A_27 = tpu.sem_alloc : memref<!tpu.dma_semaphore, #tpu.memory_space<semaphore_mem>>
      %dma_start3A_28 = arith.constant 0 : i32
      %dma_start3A_29 = arith.constant 0 : i32
      %dma_start3A_30 = tpu.memref_slice %arg3[%add3A, %run_scoped3A_3, %dma_start3A_28, %dma_start3A_29] : memref<32x80x2x125xi32, #tpu.memory_space<hbm>> -> memref<1x1x2x125xi32, #tpu.memory_space<hbm>>
      %dma_start3A_31 = tpu.memref_squeeze %dma_start3A_30 : memref<1x1x2x125xi32, #tpu.memory_space<hbm>> -> memref<2x125xi32, #tpu.memory_space<hbm>>
      %dma_start3A_32 = arith.constant 0 : i32
      %dma_start3A_33 = arith.constant 0 : i32
      %dma_start3A_34 = tpu.memref_slice %arg3[%add3A, %run_scoped3A_3, %dma_start3A_32, %dma_start3A_33] : memref<32x80x2x125xi32, #tpu.memory_space<hbm>> -> memref<1x1x2x125xi32, #tpu.memory_space<hbm>>
      %dma_start3A_35 = tpu.memref_squeeze %dma_start3A_34 : memref<1x1x2x125xi32, #tpu.memory_space<hbm>> -> memref<2x125xi32, #tpu.memory_space<hbm>>
      tpu.enqueue_dma source(%dma_start3A_35 : memref<2x125xi32, #tpu.memory_space<hbm>>) target(%arg7 : memref<2x125xi32, #tpu.memory_space<vmem>>) target_semaphore(%run_scoped3A_27 : memref<!tpu.dma_semaphore, #tpu.memory_space<semaphore_mem>>)
      %dma_wait3A = arith.constant 0 : i32
      %dma_wait3A_36 = arith.constant 0 : i32
      %dma_wait3A_37 = tpu.memref_slice %arg3[%add3A, %run_scoped3A_3, %dma_wait3A, %dma_wait3A_36] : memref<32x80x2x125xi32, #tpu.memory_space<hbm>> -> memref<1x1x2x125xi32, #tpu.memory_space<hbm>>
      %dma_wait3A_38 = tpu.memref_squeeze %dma_wait3A_37 : memref<1x1x2x125xi32, #tpu.memory_space<hbm>> -> memref<2x125xi32, #tpu.memory_space<hbm>>
      %dma_wait3A_39 = arith.constant 0 : i32
      %dma_wait3A_40 = arith.constant 0 : i32
      %dma_wait3A_41 = tpu.memref_slice %arg3[%add3A, %run_scoped3A_3, %dma_wait3A_39, %dma_wait3A_40] : memref<32x80x2x125xi32, #tpu.memory_space<hbm>> -> memref<1x1x2x125xi32, #tpu.memory_space<hbm>>
      %dma_wait3A_42 = tpu.memref_squeeze %dma_wait3A_41 : memref<1x1x2x125xi32, #tpu.memory_space<hbm>> -> memref<2x125xi32, #tpu.memory_space<hbm>>
      tpu.wait_dma2 semaphore(%run_scoped3A_27 : memref<!tpu.dma_semaphore, #tpu.memory_space<semaphore_mem>>) src(%dma_wait3A_42 : memref<2x125xi32, #tpu.memory_space<hbm>>) dst(%arg7 : memref<2x125xi32, #tpu.memory_space<vmem>>)
      tpu.yield
    }) : () -> ()
    %run_scoped3A_4 = arith.constant 2 : i32
    "tpu.region"() ({
      %run_scoped3A_27 = tpu.sem_alloc : memref<!tpu.dma_semaphore, #tpu.memory_space<semaphore_mem>>
      %dma_start3A_28 = arith.constant 0 : i32
      %dma_start3A_29 = arith.constant 0 : i32
      %dma_start3A_30 = tpu.memref_slice %arg3[%add3A, %run_scoped3A_4, %dma_start3A_28, %dma_start3A_29] : memref<32x80x2x125xi32, #tpu.memory_space<hbm>> -> memref<1x1x2x125xi32, #tpu.memory_space<hbm>>
      %dma_start3A_31 = tpu.memref_squeeze %dma_start3A_30 : memref<1x1x2x125xi32, #tpu.memory_space<hbm>> -> memref<2x125xi32, #tpu.memory_space<hbm>>
      %dma_start3A_32 = arith.constant 0 : i32
      %dma_start3A_33 = arith.constant 0 : i32
      %dma_start3A_34 = tpu.memref_slice %arg3[%add3A, %run_scoped3A_4, %dma_start3A_32, %dma_start3A_33] : memref<32x80x2x125xi32, #tpu.memory_space<hbm>> -> memref<1x1x2x125xi32, #tpu.memory_space<hbm>>
      %dma_start3A_35 = tpu.memref_squeeze %dma_start3A_34 : memref<1x1x2x125xi32, #tpu.memory_space<hbm>> -> memref<2x125xi32, #tpu.memory_space<hbm>>
      tpu.enqueue_dma source(%dma_start3A_35 : memref<2x125xi32, #tpu.memory_space<hbm>>) target(%arg8 : memref<2x125xi32, #tpu.memory_space<vmem>>) target_semaphore(%run_scoped3A_27 : memref<!tpu.dma_semaphore, #tpu.memory_space<semaphore_mem>>)
      %dma_wait3A = arith.constant 0 : i32
      %dma_wait3A_36 = arith.constant 0 : i32
      %dma_wait3A_37 = tpu.memref_slice %arg3[%add3A, %run_scoped3A_4, %dma_wait3A, %dma_wait3A_36] : memref<32x80x2x125xi32, #tpu.memory_space<hbm>> -> memref<1x1x2x125xi32, #tpu.memory_space<hbm>>
      %dma_wait3A_38 = tpu.memref_squeeze %dma_wait3A_37 : memref<1x1x2x125xi32, #tpu.memory_space<hbm>> -> memref<2x125xi32, #tpu.memory_space<hbm>>
      %dma_wait3A_39 = arith.constant 0 : i32
      %dma_wait3A_40 = arith.constant 0 : i32
      %dma_wait3A_41 = tpu.memref_slice %arg3[%add3A, %run_scoped3A_4, %dma_wait3A_39, %dma_wait3A_40] : memref<32x80x2x125xi32, #tpu.memory_space<hbm>> -> memref<1x1x2x125xi32, #tpu.memory_space<hbm>>
      %dma_wait3A_42 = tpu.memref_squeeze %dma_wait3A_41 : memref<1x1x2x125xi32, #tpu.memory_space<hbm>> -> memref<2x125xi32, #tpu.memory_space<hbm>>
      tpu.wait_dma2 semaphore(%run_scoped3A_27 : memref<!tpu.dma_semaphore, #tpu.memory_space<semaphore_mem>>) src(%dma_wait3A_42 : memref<2x125xi32, #tpu.memory_space<hbm>>) dst(%arg8 : memref<2x125xi32, #tpu.memory_space<vmem>>)
      tpu.yield
    }) : () -> ()
    %run_scoped3A_5 = arith.constant 3 : i32
    "tpu.region"() ({
      %run_scoped3A_27 = tpu.sem_alloc : memref<!tpu.dma_semaphore, #tpu.memory_space<semaphore_mem>>
      %dma_start3A_28 = arith.constant 0 : i32
      %dma_start3A_29 = arith.constant 0 : i32
      %dma_start3A_30 = tpu.memref_slice %arg3[%add3A, %run_scoped3A_5, %dma_start3A_28, %dma_start3A_29] : memref<32x80x2x125xi32, #tpu.memory_space<hbm>> -> memref<1x1x2x125xi32, #tpu.memory_space<hbm>>
      %dma_start3A_31 = tpu.memref_squeeze %dma_start3A_30 : memref<1x1x2x125xi32, #tpu.memory_space<hbm>> -> memref<2x125xi32, #tpu.memory_space<hbm>>
      %dma_start3A_32 = arith.constant 0 : i32
      %dma_start3A_33 = arith.constant 0 : i32
      %dma_start3A_34 = tpu.memref_slice %arg3[%add3A, %run_scoped3A_5, %dma_start3A_32, %dma_start3A_33] : memref<32x80x2x125xi32, #tpu.memory_space<hbm>> -> memref<1x1x2x125xi32, #tpu.memory_space<hbm>>
      %dma_start3A_35 = tpu.memref_squeeze %dma_start3A_34 : memref<1x1x2x125xi32, #tpu.memory_space<hbm>> -> memref<2x125xi32, #tpu.memory_space<hbm>>
      tpu.enqueue_dma source(%dma_start3A_35 : memref<2x125xi32, #tpu.memory_space<hbm>>) target(%arg9 : memref<2x125xi32, #tpu.memory_space<vmem>>) target_semaphore(%run_scoped3A_27 : memref<!tpu.dma_semaphore, #tpu.memory_space<semaphore_mem>>)
      %dma_wait3A = arith.constant 0 : i32
      %dma_wait3A_36 = arith.constant 0 : i32
      %dma_wait3A_37 = tpu.memref_slice %arg3[%add3A, %run_scoped3A_5, %dma_wait3A, %dma_wait3A_36] : memref<32x80x2x125xi32, #tpu.memory_space<hbm>> -> memref<1x1x2x125xi32, #tpu.memory_space<hbm>>
      %dma_wait3A_38 = tpu.memref_squeeze %dma_wait3A_37 : memref<1x1x2x125xi32, #tpu.memory_space<hbm>> -> memref<2x125xi32, #tpu.memory_space<hbm>>
      %dma_wait3A_39 = arith.constant 0 : i32
      %dma_wait3A_40 = arith.constant 0 : i32
      %dma_wait3A_41 = tpu.memref_slice %arg3[%add3A, %run_scoped3A_5, %dma_wait3A_39, %dma_wait3A_40] : memref<32x80x2x125xi32, #tpu.memory_space<hbm>> -> memref<1x1x2x125xi32, #tpu.memory_space<hbm>>
      %dma_wait3A_42 = tpu.memref_squeeze %dma_wait3A_41 : memref<1x1x2x125xi32, #tpu.memory_space<hbm>> -> memref<2x125xi32, #tpu.memory_space<hbm>>
      tpu.wait_dma2 semaphore(%run_scoped3A_27 : memref<!tpu.dma_semaphore, #tpu.memory_space<semaphore_mem>>) src(%dma_wait3A_42 : memref<2x125xi32, #tpu.memory_space<hbm>>) dst(%arg9 : memref<2x125xi32, #tpu.memory_space<vmem>>)
      tpu.yield
    }) : () -> ()
    %dma_start3A = arith.constant 0 : i32
    %dma_start3A_6 = arith.constant 0 : i32
    %dma_start3A_7 = tpu.memref_slice %arg6[%dma_start3A, %dma_start3A_6] : memref<2x125xi32, #tpu.memory_space<vmem>> -> memref<1x125xi32, #tpu.memory_space<vmem>>
    %dma_start3A_8 = tpu.memref_squeeze %dma_start3A_7 : memref<1x125xi32, #tpu.memory_space<vmem>> -> memref<125xi32, #tpu.memory_space<vmem>>
    %dma_start3A_9 = arith.constant 0 : i32
    %dma_start3A_10 = arith.constant 0 : i32
    %dma_start3A_11 = tpu.memref_slice %arg2[%dma_start3A_9, %dma_start3A_10] : memref<20480x128xf32, #tpu.memory_space<hbm>> -> memref<20480x128xf32, #tpu.memory_space<hbm>>
    tpu.enqueue_indirect_dma source(%dma_start3A_11 : memref<20480x128xf32, #tpu.memory_space<hbm>>) target(%arg10 : memref<125x128xf32, #tpu.memory_space<vmem>>) offsets(%dma_start3A_8 : memref<125xi32, #tpu.memory_space<vmem>>) semaphore(%arg13 : memref<!tpu.dma_semaphore, #tpu.memory_space<semaphore_mem>>)
    %dma_start3A_12 = arith.constant 0 : i32
    %dma_start3A_13 = arith.constant 0 : i32
    %dma_start3A_14 = tpu.memref_slice %arg7[%dma_start3A_12, %dma_start3A_13] : memref<2x125xi32, #tpu.memory_space<vmem>> -> memref<1x125xi32, #tpu.memory_space<vmem>>
    %dma_start3A_15 = tpu.memref_squeeze %dma_start3A_14 : memref<1x125xi32, #tpu.memory_space<vmem>> -> memref<125xi32, #tpu.memory_space<vmem>>
    %dma_start3A_16 = arith.constant 0 : i32
    %dma_start3A_17 = arith.constant 0 : i32
    %dma_start3A_18 = tpu.memref_slice %arg2[%dma_start3A_16, %dma_start3A_17] : memref<20480x128xf32, #tpu.memory_space<hbm>> -> memref<20480x128xf32, #tpu.memory_space<hbm>>
    tpu.enqueue_indirect_dma source(%dma_start3A_18 : memref<20480x128xf32, #tpu.memory_space<hbm>>) target(%arg11 : memref<125x128xf32, #tpu.memory_space<vmem>>) offsets(%dma_start3A_15 : memref<125xi32, #tpu.memory_space<vmem>>) semaphore(%arg14 : memref<!tpu.dma_semaphore, #tpu.memory_space<semaphore_mem>>)
    %barrier3A = arith.constant 0 : index
    tpu.barrier barrier_id(%barrier3A)
    %scan3A = arith.constant 0 : i32
    %scan3A_19 = arith.constant 20 : i32
    %scan3A_20 = arith.addi %scan3A, %scan3A_19 : i32
    %scan3A_21 = arith.constant 1 : i32
    scf.for %scan3A_27 = %scan3A to %scan3A_20 step %scan3A_21  : i32 {
      %mul3A_28 = arith.constant 4 : i32
      %mul3A_29 = arith.muli %scan3A_27, %mul3A_28 : i32
      %add3A_30 = arith.constant 0 : i32
      %add3A_31 = arith.addi %add3A_30, %mul3A_29 : i32
      %add3A_32 = arith.constant 0 : i32
      %add3A_33 = arith.addi %add3A_31, %add3A_32 : i32
      %dma_wait3A = arith.constant 0 : i32
      %dma_wait3A_34 = arith.constant 0 : i32
      %dma_wait3A_35 = tpu.memref_slice %arg6[%dma_wait3A, %dma_wait3A_34] : memref<2x125xi32, #tpu.memory_space<vmem>> -> memref<1x125xi32, #tpu.memory_space<vmem>>
      %dma_wait3A_36 = tpu.memref_squeeze %dma_wait3A_35 : memref<1x125xi32, #tpu.memory_space<vmem>> -> memref<125xi32, #tpu.memory_space<vmem>>
      %dma_wait3A_37 = arith.constant 0 : i32
      %dma_wait3A_38 = arith.constant 0 : i32
      %dma_wait3A_39 = tpu.memref_slice %arg2[%dma_wait3A_37, %dma_wait3A_38] : memref<20480x128xf32, #tpu.memory_space<hbm>> -> memref<20480x128xf32, #tpu.memory_space<hbm>>
      tpu.wait_indirect_dma semaphore(%arg13 : memref<!tpu.dma_semaphore, #tpu.memory_space<semaphore_mem>>) src(%dma_wait3A_39 : memref<20480x128xf32, #tpu.memory_space<hbm>>) dst(%arg10 : memref<125x128xf32, #tpu.memory_space<vmem>>)
      %run_scoped3A_40 = arith.constant 1 : i32
      "tpu.region"() ({
        %run_scoped3A_124 = tpu.sem_alloc : memref<!tpu.dma_semaphore, #tpu.memory_space<semaphore_mem>>
        %dma_start3A_125 = arith.constant 0 : i32
        %dma_start3A_126 = tpu.memref_slice %arg6[%run_scoped3A_40, %dma_start3A_125] : memref<2x125xi32, #tpu.memory_space<vmem>> -> memref<1x125xi32, #tpu.memory_space<vmem>>
        %dma_start3A_127 = tpu.memref_squeeze %dma_start3A_126 : memref<1x125xi32, #tpu.memory_space<vmem>> -> memref<125xi32, #tpu.memory_space<vmem>>
        %dma_start3A_128 = arith.constant 0 : i32
        %dma_start3A_129 = arith.constant 0 : i32
        %dma_start3A_130 = tpu.memref_slice %arg12[%dma_start3A_128, %dma_start3A_129] : memref<10240x128xf32, #tpu.memory_space<vmem_shared>> -> memref<10240x128xf32, #tpu.memory_space<vmem_shared>>
        tpu.enqueue_indirect_dma source(%arg10 : memref<125x128xf32, #tpu.memory_space<vmem>>) target(%dma_start3A_130 : memref<10240x128xf32, #tpu.memory_space<vmem_shared>>) offsets(%dma_start3A_127 : memref<125xi32, #tpu.memory_space<vmem>>) semaphore(%run_scoped3A_124 : memref<!tpu.dma_semaphore, #tpu.memory_space<semaphore_mem>>) {add = true}
        %dma_wait3A_131 = arith.constant 0 : i32
        %dma_wait3A_132 = tpu.memref_slice %arg6[%run_scoped3A_40, %dma_wait3A_131] : memref<2x125xi32, #tpu.memory_space<vmem>> -> memref<1x125xi32, #tpu.memory_space<vmem>>
        %dma_wait3A_133 = tpu.memref_squeeze %dma_wait3A_132 : memref<1x125xi32, #tpu.memory_space<vmem>> -> memref<125xi32, #tpu.memory_space<vmem>>
        %dma_wait3A_134 = arith.constant 0 : i32
        %dma_wait3A_135 = arith.constant 0 : i32
        %dma_wait3A_136 = tpu.memref_slice %arg12[%dma_wait3A_134, %dma_wait3A_135] : memref<10240x128xf32, #tpu.memory_space<vmem_shared>> -> memref<10240x128xf32, #tpu.memory_space<vmem_shared>>
        tpu.wait_indirect_dma semaphore(%run_scoped3A_124 : memref<!tpu.dma_semaphore, #tpu.memory_space<semaphore_mem>>) src(%arg10 : memref<125x128xf32, #tpu.memory_space<vmem>>) dst(%dma_wait3A_136 : memref<10240x128xf32, #tpu.memory_space<vmem_shared>>)
        tpu.yield
      }) : () -> ()
      %add3A_41 = arith.constant 4 : i32
      %add3A_42 = arith.addi %add3A_33, %add3A_41 : i32
      %lt3A = arith.constant 80 : i32
      %lt3A_43 = arith.cmpi slt, %add3A_42, %lt3A : i32
      %convert_element_type3A = arith.extui %lt3A_43 : i1 to i32
      %cond3A = arith.constant 0 : i32
      %cond3A_44 = arith.cmpi ne, %convert_element_type3A, %cond3A : i32
      scf.if %cond3A_44 {
        %add3A_124 = arith.constant 4 : i32
        %add3A_125 = arith.addi %add3A_33, %add3A_124 : i32
        %dma_start3A_126 = arith.constant 0 : i32
        %dma_start3A_127 = arith.constant 0 : i32
        %dma_start3A_128 = tpu.memref_slice %arg3[%add3A, %add3A_125, %dma_start3A_126, %dma_start3A_127] : memref<32x80x2x125xi32, #tpu.memory_space<hbm>> -> memref<1x1x2x125xi32, #tpu.memory_space<hbm>>
        %dma_start3A_129 = tpu.memref_squeeze %dma_start3A_128 : memref<1x1x2x125xi32, #tpu.memory_space<hbm>> -> memref<2x125xi32, #tpu.memory_space<hbm>>
        %dma_start3A_130 = arith.constant 0 : i32
        %dma_start3A_131 = arith.constant 0 : i32
        %dma_start3A_132 = tpu.memref_slice %arg3[%add3A, %add3A_125, %dma_start3A_130, %dma_start3A_131] : memref<32x80x2x125xi32, #tpu.memory_space<hbm>> -> memref<1x1x2x125xi32, #tpu.memory_space<hbm>>
        %dma_start3A_133 = tpu.memref_squeeze %dma_start3A_132 : memref<1x1x2x125xi32, #tpu.memory_space<hbm>> -> memref<2x125xi32, #tpu.memory_space<hbm>>
        tpu.enqueue_dma source(%dma_start3A_133 : memref<2x125xi32, #tpu.memory_space<hbm>>) target(%arg6 : memref<2x125xi32, #tpu.memory_space<vmem>>) target_semaphore(%arg15 : memref<!tpu.dma_semaphore, #tpu.memory_space<semaphore_mem>>)
      } else {
      }
      %add3A_45 = arith.constant 2 : i32
      %add3A_46 = arith.addi %add3A_33, %add3A_45 : i32
      %lt3A_47 = arith.constant 80 : i32
      %lt3A_48 = arith.cmpi slt, %add3A_46, %lt3A_47 : i32
      %convert_element_type3A_49 = arith.extui %lt3A_48 : i1 to i32
      %cond3A_50 = arith.constant 0 : i32
      %cond3A_51 = arith.cmpi ne, %convert_element_type3A_49, %cond3A_50 : i32
      scf.if %cond3A_51 {
        %add3A_124 = arith.constant 2 : i32
        %add3A_125 = arith.addi %add3A_33, %add3A_124 : i32
        %ge3A = arith.constant 4 : i32
        %ge3A_126 = arith.cmpi sge, %add3A_125, %ge3A : i32
        %convert_element_type3A_127 = arith.extui %ge3A_126 : i1 to i32
        %cond3A_128 = arith.constant 0 : i32
        %cond3A_129 = arith.cmpi ne, %convert_element_type3A_127, %cond3A_128 : i32
        scf.if %cond3A_129 {
          %add3A_137 = arith.constant 2 : i32
          %add3A_138 = arith.addi %add3A_33, %add3A_137 : i32
          %dma_wait3A_139 = arith.constant 0 : i32
          %dma_wait3A_140 = arith.constant 0 : i32
          %dma_wait3A_141 = tpu.memref_slice %arg3[%add3A, %add3A_138, %dma_wait3A_139, %dma_wait3A_140] : memref<32x80x2x125xi32, #tpu.memory_space<hbm>> -> memref<1x1x2x125xi32, #tpu.memory_space<hbm>>
          %dma_wait3A_142 = tpu.memref_squeeze %dma_wait3A_141 : memref<1x1x2x125xi32, #tpu.memory_space<hbm>> -> memref<2x125xi32, #tpu.memory_space<hbm>>
          %dma_wait3A_143 = arith.constant 0 : i32
          %dma_wait3A_144 = arith.constant 0 : i32
          %dma_wait3A_145 = tpu.memref_slice %arg3[%add3A, %add3A_138, %dma_wait3A_143, %dma_wait3A_144] : memref<32x80x2x125xi32, #tpu.memory_space<hbm>> -> memref<1x1x2x125xi32, #tpu.memory_space<hbm>>
          %dma_wait3A_146 = tpu.memref_squeeze %dma_wait3A_145 : memref<1x1x2x125xi32, #tpu.memory_space<hbm>> -> memref<2x125xi32, #tpu.memory_space<hbm>>
          tpu.wait_dma2 semaphore(%arg17 : memref<!tpu.dma_semaphore, #tpu.memory_space<semaphore_mem>>) src(%dma_wait3A_146 : memref<2x125xi32, #tpu.memory_space<hbm>>) dst(%arg8 : memref<2x125xi32, #tpu.memory_space<vmem>>)
        } else {
        }
        %dma_start3A_130 = arith.constant 0 : i32
        %dma_start3A_131 = arith.constant 0 : i32
        %dma_start3A_132 = tpu.memref_slice %arg8[%dma_start3A_130, %dma_start3A_131] : memref<2x125xi32, #tpu.memory_space<vmem>> -> memref<1x125xi32, #tpu.memory_space<vmem>>
        %dma_start3A_133 = tpu.memref_squeeze %dma_start3A_132 : memref<1x125xi32, #tpu.memory_space<vmem>> -> memref<125xi32, #tpu.memory_space<vmem>>
        %dma_start3A_134 = arith.constant 0 : i32
        %dma_start3A_135 = arith.constant 0 : i32
        %dma_start3A_136 = tpu.memref_slice %arg2[%dma_start3A_134, %dma_start3A_135] : memref<20480x128xf32, #tpu.memory_space<hbm>> -> memref<20480x128xf32, #tpu.memory_space<hbm>>
        tpu.enqueue_indirect_dma source(%dma_start3A_136 : memref<20480x128xf32, #tpu.memory_space<hbm>>) target(%arg10 : memref<125x128xf32, #tpu.memory_space<vmem>>) offsets(%dma_start3A_133 : memref<125xi32, #tpu.memory_space<vmem>>) semaphore(%arg13 : memref<!tpu.dma_semaphore, #tpu.memory_space<semaphore_mem>>)
      } else {
      }
      %add3A_52 = arith.constant 1 : i32
      %add3A_53 = arith.addi %add3A_31, %add3A_52 : i32
      %dma_wait3A_54 = arith.constant 0 : i32
      %dma_wait3A_55 = arith.constant 0 : i32
      %dma_wait3A_56 = tpu.memref_slice %arg7[%dma_wait3A_54, %dma_wait3A_55] : memref<2x125xi32, #tpu.memory_space<vmem>> -> memref<1x125xi32, #tpu.memory_space<vmem>>
      %dma_wait3A_57 = tpu.memref_squeeze %dma_wait3A_56 : memref<1x125xi32, #tpu.memory_space<vmem>> -> memref<125xi32, #tpu.memory_space<vmem>>
      %dma_wait3A_58 = arith.constant 0 : i32
      %dma_wait3A_59 = arith.constant 0 : i32
      %dma_wait3A_60 = tpu.memref_slice %arg2[%dma_wait3A_58, %dma_wait3A_59] : memref<20480x128xf32, #tpu.memory_space<hbm>> -> memref<20480x128xf32, #tpu.memory_space<hbm>>
      tpu.wait_indirect_dma semaphore(%arg14 : memref<!tpu.dma_semaphore, #tpu.memory_space<semaphore_mem>>) src(%dma_wait3A_60 : memref<20480x128xf32, #tpu.memory_space<hbm>>) dst(%arg11 : memref<125x128xf32, #tpu.memory_space<vmem>>)
      %run_scoped3A_61 = arith.constant 1 : i32
      "tpu.region"() ({
        %run_scoped3A_124 = tpu.sem_alloc : memref<!tpu.dma_semaphore, #tpu.memory_space<semaphore_mem>>
        %dma_start3A_125 = arith.constant 0 : i32
        %dma_start3A_126 = tpu.memref_slice %arg7[%run_scoped3A_61, %dma_start3A_125] : memref<2x125xi32, #tpu.memory_space<vmem>> -> memref<1x125xi32, #tpu.memory_space<vmem>>
        %dma_start3A_127 = tpu.memref_squeeze %dma_start3A_126 : memref<1x125xi32, #tpu.memory_space<vmem>> -> memref<125xi32, #tpu.memory_space<vmem>>
        %dma_start3A_128 = arith.constant 0 : i32
        %dma_start3A_129 = arith.constant 0 : i32
        %dma_start3A_130 = tpu.memref_slice %arg12[%dma_start3A_128, %dma_start3A_129] : memref<10240x128xf32, #tpu.memory_space<vmem_shared>> -> memref<10240x128xf32, #tpu.memory_space<vmem_shared>>
        tpu.enqueue_indirect_dma source(%arg11 : memref<125x128xf32, #tpu.memory_space<vmem>>) target(%dma_start3A_130 : memref<10240x128xf32, #tpu.memory_space<vmem_shared>>) offsets(%dma_start3A_127 : memref<125xi32, #tpu.memory_space<vmem>>) semaphore(%run_scoped3A_124 : memref<!tpu.dma_semaphore, #tpu.memory_space<semaphore_mem>>) {add = true}
        %dma_wait3A_131 = arith.constant 0 : i32
        %dma_wait3A_132 = tpu.memref_slice %arg7[%run_scoped3A_61, %dma_wait3A_131] : memref<2x125xi32, #tpu.memory_space<vmem>> -> memref<1x125xi32, #tpu.memory_space<vmem>>
        %dma_wait3A_133 = tpu.memref_squeeze %dma_wait3A_132 : memref<1x125xi32, #tpu.memory_space<vmem>> -> memref<125xi32, #tpu.memory_space<vmem>>
        %dma_wait3A_134 = arith.constant 0 : i32
        %dma_wait3A_135 = arith.constant 0 : i32
        %dma_wait3A_136 = tpu.memref_slice %arg12[%dma_wait3A_134, %dma_wait3A_135] : memref<10240x128xf32, #tpu.memory_space<vmem_shared>> -> memref<10240x128xf32, #tpu.memory_space<vmem_shared>>
        tpu.wait_indirect_dma semaphore(%run_scoped3A_124 : memref<!tpu.dma_semaphore, #tpu.memory_space<semaphore_mem>>) src(%arg11 : memref<125x128xf32, #tpu.memory_space<vmem>>) dst(%dma_wait3A_136 : memref<10240x128xf32, #tpu.memory_space<vmem_shared>>)
        tpu.yield
      }) : () -> ()
      %add3A_62 = arith.constant 4 : i32
      %add3A_63 = arith.addi %add3A_53, %add3A_62 : i32
      %lt3A_64 = arith.constant 80 : i32
      %lt3A_65 = arith.cmpi slt, %add3A_63, %lt3A_64 : i32
      %convert_element_type3A_66 = arith.extui %lt3A_65 : i1 to i32
      %cond3A_67 = arith.constant 0 : i32
      %cond3A_68 = arith.cmpi ne, %convert_element_type3A_66, %cond3A_67 : i32
      scf.if %cond3A_68 {
        %add3A_124 = arith.constant 4 : i32
        %add3A_125 = arith.addi %add3A_53, %add3A_124 : i32
        %dma_start3A_126 = arith.constant 0 : i32
        %dma_start3A_127 = arith.constant 0 : i32
        %dma_start3A_128 = tpu.memref_slice %arg3[%add3A, %add3A_125, %dma_start3A_126, %dma_start3A_127] : memref<32x80x2x125xi32, #tpu.memory_space<hbm>> -> memref<1x1x2x125xi32, #tpu.memory_space<hbm>>
        %dma_start3A_129 = tpu.memref_squeeze %dma_start3A_128 : memref<1x1x2x125xi32, #tpu.memory_space<hbm>> -> memref<2x125xi32, #tpu.memory_space<hbm>>
        %dma_start3A_130 = arith.constant 0 : i32
        %dma_start3A_131 = arith.constant 0 : i32
        %dma_start3A_132 = tpu.memref_slice %arg3[%add3A, %add3A_125, %dma_start3A_130, %dma_start3A_131] : memref<32x80x2x125xi32, #tpu.memory_space<hbm>> -> memref<1x1x2x125xi32, #tpu.memory_space<hbm>>
        %dma_start3A_133 = tpu.memref_squeeze %dma_start3A_132 : memref<1x1x2x125xi32, #tpu.memory_space<hbm>> -> memref<2x125xi32, #tpu.memory_space<hbm>>
        tpu.enqueue_dma source(%dma_start3A_133 : memref<2x125xi32, #tpu.memory_space<hbm>>) target(%arg7 : memref<2x125xi32, #tpu.memory_space<vmem>>) target_semaphore(%arg16 : memref<!tpu.dma_semaphore, #tpu.memory_space<semaphore_mem>>)
      } else {
      }
      %add3A_69 = arith.constant 2 : i32
      %add3A_70 = arith.addi %add3A_53, %add3A_69 : i32
      %lt3A_71 = arith.constant 80 : i32
      %lt3A_72 = arith.cmpi slt, %add3A_70, %lt3A_71 : i32
      %convert_element_type3A_73 = arith.extui %lt3A_72 : i1 to i32
      %cond3A_74 = arith.constant 0 : i32
      %cond3A_75 = arith.cmpi ne, %convert_element_type3A_73, %cond3A_74 : i32
      scf.if %cond3A_75 {
        %add3A_124 = arith.constant 2 : i32
        %add3A_125 = arith.addi %add3A_53, %add3A_124 : i32
        %ge3A = arith.constant 4 : i32
        %ge3A_126 = arith.cmpi sge, %add3A_125, %ge3A : i32
        %convert_element_type3A_127 = arith.extui %ge3A_126 : i1 to i32
        %cond3A_128 = arith.constant 0 : i32
        %cond3A_129 = arith.cmpi ne, %convert_element_type3A_127, %cond3A_128 : i32
        scf.if %cond3A_129 {
          %add3A_137 = arith.constant 2 : i32
          %add3A_138 = arith.addi %add3A_53, %add3A_137 : i32
          %dma_wait3A_139 = arith.constant 0 : i32
          %dma_wait3A_140 = arith.constant 0 : i32
          %dma_wait3A_141 = tpu.memref_slice %arg3[%add3A, %add3A_138, %dma_wait3A_139, %dma_wait3A_140] : memref<32x80x2x125xi32, #tpu.memory_space<hbm>> -> memref<1x1x2x125xi32, #tpu.memory_space<hbm>>
          %dma_wait3A_142 = tpu.memref_squeeze %dma_wait3A_141 : memref<1x1x2x125xi32, #tpu.memory_space<hbm>> -> memref<2x125xi32, #tpu.memory_space<hbm>>
          %dma_wait3A_143 = arith.constant 0 : i32
          %dma_wait3A_144 = arith.constant 0 : i32
          %dma_wait3A_145 = tpu.memref_slice %arg3[%add3A, %add3A_138, %dma_wait3A_143, %dma_wait3A_144] : memref<32x80x2x125xi32, #tpu.memory_space<hbm>> -> memref<1x1x2x125xi32, #tpu.memory_space<hbm>>
          %dma_wait3A_146 = tpu.memref_squeeze %dma_wait3A_145 : memref<1x1x2x125xi32, #tpu.memory_space<hbm>> -> memref<2x125xi32, #tpu.memory_space<hbm>>
          tpu.wait_dma2 semaphore(%arg18 : memref<!tpu.dma_semaphore, #tpu.memory_space<semaphore_mem>>) src(%dma_wait3A_146 : memref<2x125xi32, #tpu.memory_space<hbm>>) dst(%arg9 : memref<2x125xi32, #tpu.memory_space<vmem>>)
        } else {
        }
        %dma_start3A_130 = arith.constant 0 : i32
        %dma_start3A_131 = arith.constant 0 : i32
        %dma_start3A_132 = tpu.memref_slice %arg9[%dma_start3A_130, %dma_start3A_131] : memref<2x125xi32, #tpu.memory_space<vmem>> -> memref<1x125xi32, #tpu.memory_space<vmem>>
        %dma_start3A_133 = tpu.memref_squeeze %dma_start3A_132 : memref<1x125xi32, #tpu.memory_space<vmem>> -> memref<125xi32, #tpu.memory_space<vmem>>
        %dma_start3A_134 = arith.constant 0 : i32
        %dma_start3A_135 = arith.constant 0 : i32
        %dma_start3A_136 = tpu.memref_slice %arg2[%dma_start3A_134, %dma_start3A_135] : memref<20480x128xf32, #tpu.memory_space<hbm>> -> memref<20480x128xf32, #tpu.memory_space<hbm>>
        tpu.enqueue_indirect_dma source(%dma_start3A_136 : memref<20480x128xf32, #tpu.memory_space<hbm>>) target(%arg11 : memref<125x128xf32, #tpu.memory_space<vmem>>) offsets(%dma_start3A_133 : memref<125xi32, #tpu.memory_space<vmem>>) semaphore(%arg14 : memref<!tpu.dma_semaphore, #tpu.memory_space<semaphore_mem>>)
      } else {
      }
      %add3A_76 = arith.constant 2 : i32
      %add3A_77 = arith.addi %add3A_31, %add3A_76 : i32
      %dma_wait3A_78 = arith.constant 0 : i32
      %dma_wait3A_79 = arith.constant 0 : i32
      %dma_wait3A_80 = tpu.memref_slice %arg8[%dma_wait3A_78, %dma_wait3A_79] : memref<2x125xi32, #tpu.memory_space<vmem>> -> memref<1x125xi32, #tpu.memory_space<vmem>>
      %dma_wait3A_81 = tpu.memref_squeeze %dma_wait3A_80 : memref<1x125xi32, #tpu.memory_space<vmem>> -> memref<125xi32, #tpu.memory_space<vmem>>
      %dma_wait3A_82 = arith.constant 0 : i32
      %dma_wait3A_83 = arith.constant 0 : i32
      %dma_wait3A_84 = tpu.memref_slice %arg2[%dma_wait3A_82, %dma_wait3A_83] : memref<20480x128xf32, #tpu.memory_space<hbm>> -> memref<20480x128xf32, #tpu.memory_space<hbm>>
      tpu.wait_indirect_dma semaphore(%arg13 : memref<!tpu.dma_semaphore, #tpu.memory_space<semaphore_mem>>) src(%dma_wait3A_84 : memref<20480x128xf32, #tpu.memory_space<hbm>>) dst(%arg10 : memref<125x128xf32, #tpu.memory_space<vmem>>)
      %run_scoped3A_85 = arith.constant 1 : i32
      "tpu.region"() ({
        %run_scoped3A_124 = tpu.sem_alloc : memref<!tpu.dma_semaphore, #tpu.memory_space<semaphore_mem>>
        %dma_start3A_125 = arith.constant 0 : i32
        %dma_start3A_126 = tpu.memref_slice %arg8[%run_scoped3A_85, %dma_start3A_125] : memref<2x125xi32, #tpu.memory_space<vmem>> -> memref<1x125xi32, #tpu.memory_space<vmem>>
        %dma_start3A_127 = tpu.memref_squeeze %dma_start3A_126 : memref<1x125xi32, #tpu.memory_space<vmem>> -> memref<125xi32, #tpu.memory_space<vmem>>
        %dma_start3A_128 = arith.constant 0 : i32
        %dma_start3A_129 = arith.constant 0 : i32
        %dma_start3A_130 = tpu.memref_slice %arg12[%dma_start3A_128, %dma_start3A_129] : memref<10240x128xf32, #tpu.memory_space<vmem_shared>> -> memref<10240x128xf32, #tpu.memory_space<vmem_shared>>
        tpu.enqueue_indirect_dma source(%arg10 : memref<125x128xf32, #tpu.memory_space<vmem>>) target(%dma_start3A_130 : memref<10240x128xf32, #tpu.memory_space<vmem_shared>>) offsets(%dma_start3A_127 : memref<125xi32, #tpu.memory_space<vmem>>) semaphore(%run_scoped3A_124 : memref<!tpu.dma_semaphore, #tpu.memory_space<semaphore_mem>>) {add = true}
        %dma_wait3A_131 = arith.constant 0 : i32
        %dma_wait3A_132 = tpu.memref_slice %arg8[%run_scoped3A_85, %dma_wait3A_131] : memref<2x125xi32, #tpu.memory_space<vmem>> -> memref<1x125xi32, #tpu.memory_space<vmem>>
        %dma_wait3A_133 = tpu.memref_squeeze %dma_wait3A_132 : memref<1x125xi32, #tpu.memory_space<vmem>> -> memref<125xi32, #tpu.memory_space<vmem>>
        %dma_wait3A_134 = arith.constant 0 : i32
        %dma_wait3A_135 = arith.constant 0 : i32
        %dma_wait3A_136 = tpu.memref_slice %arg12[%dma_wait3A_134, %dma_wait3A_135] : memref<10240x128xf32, #tpu.memory_space<vmem_shared>> -> memref<10240x128xf32, #tpu.memory_space<vmem_shared>>
        tpu.wait_indirect_dma semaphore(%run_scoped3A_124 : memref<!tpu.dma_semaphore, #tpu.memory_space<semaphore_mem>>) src(%arg10 : memref<125x128xf32, #tpu.memory_space<vmem>>) dst(%dma_wait3A_136 : memref<10240x128xf32, #tpu.memory_space<vmem_shared>>)
        tpu.yield
      }) : () -> ()
      %add3A_86 = arith.constant 4 : i32
      %add3A_87 = arith.addi %add3A_77, %add3A_86 : i32
      %lt3A_88 = arith.constant 80 : i32
      %lt3A_89 = arith.cmpi slt, %add3A_87, %lt3A_88 : i32
      %convert_element_type3A_90 = arith.extui %lt3A_89 : i1 to i32
      %cond3A_91 = arith.constant 0 : i32
      %cond3A_92 = arith.cmpi ne, %convert_element_type3A_90, %cond3A_91 : i32
      scf.if %cond3A_92 {
        %add3A_124 = arith.constant 4 : i32
        %add3A_125 = arith.addi %add3A_77, %add3A_124 : i32
        %dma_start3A_126 = arith.constant 0 : i32
        %dma_start3A_127 = arith.constant 0 : i32
        %dma_start3A_128 = tpu.memref_slice %arg3[%add3A, %add3A_125, %dma_start3A_126, %dma_start3A_127] : memref<32x80x2x125xi32, #tpu.memory_space<hbm>> -> memref<1x1x2x125xi32, #tpu.memory_space<hbm>>
        %dma_start3A_129 = tpu.memref_squeeze %dma_start3A_128 : memref<1x1x2x125xi32, #tpu.memory_space<hbm>> -> memref<2x125xi32, #tpu.memory_space<hbm>>
        %dma_start3A_130 = arith.constant 0 : i32
        %dma_start3A_131 = arith.constant 0 : i32
        %dma_start3A_132 = tpu.memref_slice %arg3[%add3A, %add3A_125, %dma_start3A_130, %dma_start3A_131] : memref<32x80x2x125xi32, #tpu.memory_space<hbm>> -> memref<1x1x2x125xi32, #tpu.memory_space<hbm>>
        %dma_start3A_133 = tpu.memref_squeeze %dma_start3A_132 : memref<1x1x2x125xi32, #tpu.memory_space<hbm>> -> memref<2x125xi32, #tpu.memory_space<hbm>>
        tpu.enqueue_dma source(%dma_start3A_133 : memref<2x125xi32, #tpu.memory_space<hbm>>) target(%arg8 : memref<2x125xi32, #tpu.memory_space<vmem>>) target_semaphore(%arg17 : memref<!tpu.dma_semaphore, #tpu.memory_space<semaphore_mem>>)
      } else {
      }
      %add3A_93 = arith.constant 2 : i32
      %add3A_94 = arith.addi %add3A_77, %add3A_93 : i32
      %lt3A_95 = arith.constant 80 : i32
      %lt3A_96 = arith.cmpi slt, %add3A_94, %lt3A_95 : i32
      %convert_element_type3A_97 = arith.extui %lt3A_96 : i1 to i32
      %cond3A_98 = arith.constant 0 : i32
      %cond3A_99 = arith.cmpi ne, %convert_element_type3A_97, %cond3A_98 : i32
      scf.if %cond3A_99 {
        %add3A_124 = arith.constant 2 : i32
        %add3A_125 = arith.addi %add3A_77, %add3A_124 : i32
        %ge3A = arith.constant 4 : i32
        %ge3A_126 = arith.cmpi sge, %add3A_125, %ge3A : i32
        %convert_element_type3A_127 = arith.extui %ge3A_126 : i1 to i32
        %cond3A_128 = arith.constant 0 : i32
        %cond3A_129 = arith.cmpi ne, %convert_element_type3A_127, %cond3A_128 : i32
        scf.if %cond3A_129 {
          %add3A_137 = arith.constant 2 : i32
          %add3A_138 = arith.addi %add3A_77, %add3A_137 : i32
          %dma_wait3A_139 = arith.constant 0 : i32
          %dma_wait3A_140 = arith.constant 0 : i32
          %dma_wait3A_141 = tpu.memref_slice %arg3[%add3A, %add3A_138, %dma_wait3A_139, %dma_wait3A_140] : memref<32x80x2x125xi32, #tpu.memory_space<hbm>> -> memref<1x1x2x125xi32, #tpu.memory_space<hbm>>
          %dma_wait3A_142 = tpu.memref_squeeze %dma_wait3A_141 : memref<1x1x2x125xi32, #tpu.memory_space<hbm>> -> memref<2x125xi32, #tpu.memory_space<hbm>>
          %dma_wait3A_143 = arith.constant 0 : i32
          %dma_wait3A_144 = arith.constant 0 : i32
          %dma_wait3A_145 = tpu.memref_slice %arg3[%add3A, %add3A_138, %dma_wait3A_143, %dma_wait3A_144] : memref<32x80x2x125xi32, #tpu.memory_space<hbm>> -> memref<1x1x2x125xi32, #tpu.memory_space<hbm>>
          %dma_wait3A_146 = tpu.memref_squeeze %dma_wait3A_145 : memref<1x1x2x125xi32, #tpu.memory_space<hbm>> -> memref<2x125xi32, #tpu.memory_space<hbm>>
          tpu.wait_dma2 semaphore(%arg15 : memref<!tpu.dma_semaphore, #tpu.memory_space<semaphore_mem>>) src(%dma_wait3A_146 : memref<2x125xi32, #tpu.memory_space<hbm>>) dst(%arg6 : memref<2x125xi32, #tpu.memory_space<vmem>>)
        } else {
        }
        %dma_start3A_130 = arith.constant 0 : i32
        %dma_start3A_131 = arith.constant 0 : i32
        %dma_start3A_132 = tpu.memref_slice %arg6[%dma_start3A_130, %dma_start3A_131] : memref<2x125xi32, #tpu.memory_space<vmem>> -> memref<1x125xi32, #tpu.memory_space<vmem>>
        %dma_start3A_133 = tpu.memref_squeeze %dma_start3A_132 : memref<1x125xi32, #tpu.memory_space<vmem>> -> memref<125xi32, #tpu.memory_space<vmem>>
        %dma_start3A_134 = arith.constant 0 : i32
        %dma_start3A_135 = arith.constant 0 : i32
        %dma_start3A_136 = tpu.memref_slice %arg2[%dma_start3A_134, %dma_start3A_135] : memref<20480x128xf32, #tpu.memory_space<hbm>> -> memref<20480x128xf32, #tpu.memory_space<hbm>>
        tpu.enqueue_indirect_dma source(%dma_start3A_136 : memref<20480x128xf32, #tpu.memory_space<hbm>>) target(%arg10 : memref<125x128xf32, #tpu.memory_space<vmem>>) offsets(%dma_start3A_133 : memref<125xi32, #tpu.memory_space<vmem>>) semaphore(%arg13 : memref<!tpu.dma_semaphore, #tpu.memory_space<semaphore_mem>>)
      } else {
      }
      %add3A_100 = arith.constant 3 : i32
      %add3A_101 = arith.addi %add3A_31, %add3A_100 : i32
      %dma_wait3A_102 = arith.constant 0 : i32
      %dma_wait3A_103 = arith.constant 0 : i32
      %dma_wait3A_104 = tpu.memref_slice %arg9[%dma_wait3A_102, %dma_wait3A_103] : memref<2x125xi32, #tpu.memory_space<vmem>> -> memref<1x125xi32, #tpu.memory_space<vmem>>
      %dma_wait3A_105 = tpu.memref_squeeze %dma_wait3A_104 : memref<1x125xi32, #tpu.memory_space<vmem>> -> memref<125xi32, #tpu.memory_space<vmem>>
      %dma_wait3A_106 = arith.constant 0 : i32
      %dma_wait3A_107 = arith.constant 0 : i32
      %dma_wait3A_108 = tpu.memref_slice %arg2[%dma_wait3A_106, %dma_wait3A_107] : memref<20480x128xf32, #tpu.memory_space<hbm>> -> memref<20480x128xf32, #tpu.memory_space<hbm>>
      tpu.wait_indirect_dma semaphore(%arg14 : memref<!tpu.dma_semaphore, #tpu.memory_space<semaphore_mem>>) src(%dma_wait3A_108 : memref<20480x128xf32, #tpu.memory_space<hbm>>) dst(%arg11 : memref<125x128xf32, #tpu.memory_space<vmem>>)
      %run_scoped3A_109 = arith.constant 1 : i32
      "tpu.region"() ({
        %run_scoped3A_124 = tpu.sem_alloc : memref<!tpu.dma_semaphore, #tpu.memory_space<semaphore_mem>>
        %dma_start3A_125 = arith.constant 0 : i32
        %dma_start3A_126 = tpu.memref_slice %arg9[%run_scoped3A_109, %dma_start3A_125] : memref<2x125xi32, #tpu.memory_space<vmem>> -> memref<1x125xi32, #tpu.memory_space<vmem>>
        %dma_start3A_127 = tpu.memref_squeeze %dma_start3A_126 : memref<1x125xi32, #tpu.memory_space<vmem>> -> memref<125xi32, #tpu.memory_space<vmem>>
        %dma_start3A_128 = arith.constant 0 : i32
        %dma_start3A_129 = arith.constant 0 : i32
        %dma_start3A_130 = tpu.memref_slice %arg12[%dma_start3A_128, %dma_start3A_129] : memref<10240x128xf32, #tpu.memory_space<vmem_shared>> -> memref<10240x128xf32, #tpu.memory_space<vmem_shared>>
        tpu.enqueue_indirect_dma source(%arg11 : memref<125x128xf32, #tpu.memory_space<vmem>>) target(%dma_start3A_130 : memref<10240x128xf32, #tpu.memory_space<vmem_shared>>) offsets(%dma_start3A_127 : memref<125xi32, #tpu.memory_space<vmem>>) semaphore(%run_scoped3A_124 : memref<!tpu.dma_semaphore, #tpu.memory_space<semaphore_mem>>) {add = true}
        %dma_wait3A_131 = arith.constant 0 : i32
        %dma_wait3A_132 = tpu.memref_slice %arg9[%run_scoped3A_109, %dma_wait3A_131] : memref<2x125xi32, #tpu.memory_space<vmem>> -> memref<1x125xi32, #tpu.memory_space<vmem>>
        %dma_wait3A_133 = tpu.memref_squeeze %dma_wait3A_132 : memref<1x125xi32, #tpu.memory_space<vmem>> -> memref<125xi32, #tpu.memory_space<vmem>>
        %dma_wait3A_134 = arith.constant 0 : i32
        %dma_wait3A_135 = arith.constant 0 : i32
        %dma_wait3A_136 = tpu.memref_slice %arg12[%dma_wait3A_134, %dma_wait3A_135] : memref<10240x128xf32, #tpu.memory_space<vmem_shared>> -> memref<10240x128xf32, #tpu.memory_space<vmem_shared>>
        tpu.wait_indirect_dma semaphore(%run_scoped3A_124 : memref<!tpu.dma_semaphore, #tpu.memory_space<semaphore_mem>>) src(%arg11 : memref<125x128xf32, #tpu.memory_space<vmem>>) dst(%dma_wait3A_136 : memref<10240x128xf32, #tpu.memory_space<vmem_shared>>)
        tpu.yield
      }) : () -> ()
      %add3A_110 = arith.constant 4 : i32
      %add3A_111 = arith.addi %add3A_101, %add3A_110 : i32
      %lt3A_112 = arith.constant 80 : i32
      %lt3A_113 = arith.cmpi slt, %add3A_111, %lt3A_112 : i32
      %convert_element_type3A_114 = arith.extui %lt3A_113 : i1 to i32
      %cond3A_115 = arith.constant 0 : i32
      %cond3A_116 = arith.cmpi ne, %convert_element_type3A_114, %cond3A_115 : i32
      scf.if %cond3A_116 {
        %add3A_124 = arith.constant 4 : i32
        %add3A_125 = arith.addi %add3A_101, %add3A_124 : i32
        %dma_start3A_126 = arith.constant 0 : i32
        %dma_start3A_127 = arith.constant 0 : i32
        %dma_start3A_128 = tpu.memref_slice %arg3[%add3A, %add3A_125, %dma_start3A_126, %dma_start3A_127] : memref<32x80x2x125xi32, #tpu.memory_space<hbm>> -> memref<1x1x2x125xi32, #tpu.memory_space<hbm>>
        %dma_start3A_129 = tpu.memref_squeeze %dma_start3A_128 : memref<1x1x2x125xi32, #tpu.memory_space<hbm>> -> memref<2x125xi32, #tpu.memory_space<hbm>>
        %dma_start3A_130 = arith.constant 0 : i32
        %dma_start3A_131 = arith.constant 0 : i32
        %dma_start3A_132 = tpu.memref_slice %arg3[%add3A, %add3A_125, %dma_start3A_130, %dma_start3A_131] : memref<32x80x2x125xi32, #tpu.memory_space<hbm>> -> memref<1x1x2x125xi32, #tpu.memory_space<hbm>>
        %dma_start3A_133 = tpu.memref_squeeze %dma_start3A_132 : memref<1x1x2x125xi32, #tpu.memory_space<hbm>> -> memref<2x125xi32, #tpu.memory_space<hbm>>
        tpu.enqueue_dma source(%dma_start3A_133 : memref<2x125xi32, #tpu.memory_space<hbm>>) target(%arg9 : memref<2x125xi32, #tpu.memory_space<vmem>>) target_semaphore(%arg18 : memref<!tpu.dma_semaphore, #tpu.memory_space<semaphore_mem>>)
      } else {
      }
      %add3A_117 = arith.constant 2 : i32
      %add3A_118 = arith.addi %add3A_101, %add3A_117 : i32
      %lt3A_119 = arith.constant 80 : i32
      %lt3A_120 = arith.cmpi slt, %add3A_118, %lt3A_119 : i32
      %convert_element_type3A_121 = arith.extui %lt3A_120 : i1 to i32
      %cond3A_122 = arith.constant 0 : i32
      %cond3A_123 = arith.cmpi ne, %convert_element_type3A_121, %cond3A_122 : i32
      scf.if %cond3A_123 {
        %add3A_124 = arith.constant 2 : i32
        %add3A_125 = arith.addi %add3A_101, %add3A_124 : i32
        %ge3A = arith.constant 4 : i32
        %ge3A_126 = arith.cmpi sge, %add3A_125, %ge3A : i32
        %convert_element_type3A_127 = arith.extui %ge3A_126 : i1 to i32
        %cond3A_128 = arith.constant 0 : i32
        %cond3A_129 = arith.cmpi ne, %convert_element_type3A_127, %cond3A_128 : i32
        scf.if %cond3A_129 {
          %add3A_137 = arith.constant 2 : i32
          %add3A_138 = arith.addi %add3A_101, %add3A_137 : i32
          %dma_wait3A_139 = arith.constant 0 : i32
          %dma_wait3A_140 = arith.constant 0 : i32
          %dma_wait3A_141 = tpu.memref_slice %arg3[%add3A, %add3A_138, %dma_wait3A_139, %dma_wait3A_140] : memref<32x80x2x125xi32, #tpu.memory_space<hbm>> -> memref<1x1x2x125xi32, #tpu.memory_space<hbm>>
          %dma_wait3A_142 = tpu.memref_squeeze %dma_wait3A_141 : memref<1x1x2x125xi32, #tpu.memory_space<hbm>> -> memref<2x125xi32, #tpu.memory_space<hbm>>
          %dma_wait3A_143 = arith.constant 0 : i32
          %dma_wait3A_144 = arith.constant 0 : i32
          %dma_wait3A_145 = tpu.memref_slice %arg3[%add3A, %add3A_138, %dma_wait3A_143, %dma_wait3A_144] : memref<32x80x2x125xi32, #tpu.memory_space<hbm>> -> memref<1x1x2x125xi32, #tpu.memory_space<hbm>>
          %dma_wait3A_146 = tpu.memref_squeeze %dma_wait3A_145 : memref<1x1x2x125xi32, #tpu.memory_space<hbm>> -> memref<2x125xi32, #tpu.memory_space<hbm>>
          tpu.wait_dma2 semaphore(%arg16 : memref<!tpu.dma_semaphore, #tpu.memory_space<semaphore_mem>>) src(%dma_wait3A_146 : memref<2x125xi32, #tpu.memory_space<hbm>>) dst(%arg7 : memref<2x125xi32, #tpu.memory_space<vmem>>)
        } else {
        }
        %dma_start3A_130 = arith.constant 0 : i32
        %dma_start3A_131 = arith.constant 0 : i32
        %dma_start3A_132 = tpu.memref_slice %arg7[%dma_start3A_130, %dma_start3A_131] : memref<2x125xi32, #tpu.memory_space<vmem>> -> memref<1x125xi32, #tpu.memory_space<vmem>>
        %dma_start3A_133 = tpu.memref_squeeze %dma_start3A_132 : memref<1x125xi32, #tpu.memory_space<vmem>> -> memref<125xi32, #tpu.memory_space<vmem>>
        %dma_start3A_134 = arith.constant 0 : i32
        %dma_start3A_135 = arith.constant 0 : i32
        %dma_start3A_136 = tpu.memref_slice %arg2[%dma_start3A_134, %dma_start3A_135] : memref<20480x128xf32, #tpu.memory_space<hbm>> -> memref<20480x128xf32, #tpu.memory_space<hbm>>
        tpu.enqueue_indirect_dma source(%dma_start3A_136 : memref<20480x128xf32, #tpu.memory_space<hbm>>) target(%arg11 : memref<125x128xf32, #tpu.memory_space<vmem>>) offsets(%dma_start3A_133 : memref<125xi32, #tpu.memory_space<vmem>>) semaphore(%arg14 : memref<!tpu.dma_semaphore, #tpu.memory_space<semaphore_mem>>)
      } else {
      }
    }
    %scan3A_22 = arith.constant 20 : i32
    %barrier3A_23 = arith.constant 0 : index
    tpu.barrier barrier_id(%barrier3A_23)
    %mul3A_24 = arith.constant 10240 : i32
    %mul3A_25 = arith.muli %arg0, %mul3A_24 : i32
    %add3A_26 = arith.addi %mul3A_25, %mul3A_2 : i32
    "tpu.region"() ({
      %run_scoped3A_27 = tpu.sem_alloc : memref<!tpu.dma_semaphore, #tpu.memory_space<semaphore_mem>>
      %dma_start3A_28 = arith.constant 0 : i32
      %dma_start3A_29 = tpu.memref_slice %arg5[%add3A_26, %dma_start3A_28] : memref<20480x128xf32, #tpu.memory_space<hbm>> -> memref<640x128xf32, #tpu.memory_space<hbm>>
      %dma_start3A_30 = arith.constant 0 : i32
      %dma_start3A_31 = tpu.memref_slice %arg12[%mul3A_2, %dma_start3A_30] : memref<10240x128xf32, #tpu.memory_space<vmem_shared>> -> memref<640x128xf32, #tpu.memory_space<vmem_shared>>
      tpu.enqueue_dma source(%dma_start3A_31 : memref<640x128xf32, #tpu.memory_space<vmem_shared>>) target(%dma_start3A_29 : memref<640x128xf32, #tpu.memory_space<hbm>>) target_semaphore(%run_scoped3A_27 : memref<!tpu.dma_semaphore, #tpu.memory_space<semaphore_mem>>)
      %dma_wait3A = arith.constant 0 : i32
      %dma_wait3A_32 = tpu.memref_slice %arg5[%add3A_26, %dma_wait3A] : memref<20480x128xf32, #tpu.memory_space<hbm>> -> memref<640x128xf32, #tpu.memory_space<hbm>>
      %dma_wait3A_33 = arith.constant 0 : i32
      %dma_wait3A_34 = tpu.memref_slice %arg12[%mul3A_2, %dma_wait3A_33] : memref<10240x128xf32, #tpu.memory_space<vmem_shared>> -> memref<640x128xf32, #tpu.memory_space<vmem_shared>>
      tpu.wait_dma2 semaphore(%run_scoped3A_27 : memref<!tpu.dma_semaphore, #tpu.memory_space<semaphore_mem>>) src(%dma_wait3A_34 : memref<640x128xf32, #tpu.memory_space<vmem_shared>>) dst(%dma_wait3A_32 : memref<640x128xf32, #tpu.memory_space<hbm>>)
      tpu.yield
    }) : () -> ()
    return
  }
}

#map = affine_map<(d0, d1) -> (0, 0)>
#map1 = affine_map<(d0, d1) -> (0, 0, 0, 0)>
module attributes {stable_mosaic.version = 14 : i64} {
  func.func @_sc_agg_body(%arg0: i32, %arg1: i32, %arg2: memref<20480x128xf32, #tpu.memory_space<hbm>>, %arg3: memref<32x80x2x125xi32, #tpu.memory_space<hbm>>, %arg4: memref<10240x128xf32, #tpu.memory_space<hbm>>, %arg5: memref<20480x128xf32, #tpu.memory_space<hbm>>, %arg6: memref<2x125xi32, #tpu.memory_space<vmem>>, %arg7: memref<2x125xi32, #tpu.memory_space<vmem>>, %arg8: memref<2x125xi32, #tpu.memory_space<vmem>>, %arg9: memref<2x125xi32, #tpu.memory_space<vmem>>, %arg10: memref<125x128xf32, #tpu.memory_space<vmem>>, %arg11: memref<125x128xf32, #tpu.memory_space<vmem>>, %arg12: memref<10240x128xf32, #tpu.memory_space<vmem_shared>>, %arg13: memref<!tpu.dma_semaphore, #tpu.memory_space<semaphore_mem>>, %arg14: memref<!tpu.dma_semaphore, #tpu.memory_space<semaphore_mem>>, %arg15: memref<!tpu.dma_semaphore, #tpu.memory_space<semaphore_mem>>, %arg16: memref<!tpu.dma_semaphore, #tpu.memory_space<semaphore_mem>>, %arg17: memref<!tpu.dma_semaphore, #tpu.memory_space<semaphore_mem>>, %arg18: memref<!tpu.dma_semaphore, #tpu.memory_space<semaphore_mem>>) attributes {dimension_semantics = [#tpu.dimension_semantics<core_parallel>, #tpu.dimension_semantics<subcore_parallel>], iteration_bounds = array<i64: 2, 16>, scalar_prefetch = 0 : i64, scratch_operands = 13 : i64, tpu.core_type = #tpu.core_type<sc_vector_subcore>, window_params = [{transform_indices = #map}, {transform_indices = #map1}, {transform_indices = #map}, {transform_indices = #map}]} {
    %mul3A = arith.constant 16 : i32
    %mul3A_0 = arith.muli %arg0, %mul3A : i32
    %add3A = arith.addi %mul3A_0, %arg1 : i32
    %mul3A_1 = arith.constant 640 : i32
    %mul3A_2 = arith.muli %arg1, %mul3A_1 : i32
    "tpu.region"() ({
      %run_scoped3A_27 = tpu.sem_alloc : memref<!tpu.dma_semaphore, #tpu.memory_space<semaphore_mem>>
      %dma_start3A_28 = arith.constant 0 : i32
      %dma_start3A_29 = tpu.memref_slice %arg12[%mul3A_2, %dma_start3A_28] : memref<10240x128xf32, #tpu.memory_space<vmem_shared>> -> memref<640x128xf32, #tpu.memory_space<vmem_shared>>
      %dma_start3A_30 = arith.constant 0 : i32
      %dma_start3A_31 = tpu.memref_slice %arg4[%mul3A_2, %dma_start3A_30] : memref<10240x128xf32, #tpu.memory_space<hbm>> -> memref<640x128xf32, #tpu.memory_space<hbm>>
      tpu.enqueue_dma source(%dma_start3A_31 : memref<640x128xf32, #tpu.memory_space<hbm>>) target(%dma_start3A_29 : memref<640x128xf32, #tpu.memory_space<vmem_shared>>) target_semaphore(%run_scoped3A_27 : memref<!tpu.dma_semaphore, #tpu.memory_space<semaphore_mem>>)
      %dma_wait3A = arith.constant 0 : i32
      %dma_wait3A_32 = tpu.memref_slice %arg12[%mul3A_2, %dma_wait3A] : memref<10240x128xf32, #tpu.memory_space<vmem_shared>> -> memref<640x128xf32, #tpu.memory_space<vmem_shared>>
      %dma_wait3A_33 = arith.constant 0 : i32
      %dma_wait3A_34 = tpu.memref_slice %arg4[%mul3A_2, %dma_wait3A_33] : memref<10240x128xf32, #tpu.memory_space<hbm>> -> memref<640x128xf32, #tpu.memory_space<hbm>>
      tpu.wait_dma2 semaphore(%run_scoped3A_27 : memref<!tpu.dma_semaphore, #tpu.memory_space<semaphore_mem>>) src(%dma_wait3A_34 : memref<640x128xf32, #tpu.memory_space<hbm>>) dst(%dma_wait3A_32 : memref<640x128xf32, #tpu.memory_space<vmem_shared>>)
      tpu.yield
    }) : () -> ()
    %run_scoped3A = arith.constant 0 : i32
    "tpu.region"() ({
      %run_scoped3A_27 = tpu.sem_alloc : memref<!tpu.dma_semaphore, #tpu.memory_space<semaphore_mem>>
      %dma_start3A_28 = arith.constant 0 : i32
      %dma_start3A_29 = arith.constant 0 : i32
      %dma_start3A_30 = tpu.memref_slice %arg3[%add3A, %run_scoped3A, %dma_start3A_28, %dma_start3A_29] : memref<32x80x2x125xi32, #tpu.memory_space<hbm>> -> memref<1x1x2x125xi32, #tpu.memory_space<hbm>>
      %dma_start3A_31 = tpu.memref_squeeze %dma_start3A_30 : memref<1x1x2x125xi32, #tpu.memory_space<hbm>> -> memref<2x125xi32, #tpu.memory_space<hbm>>
      %dma_start3A_32 = arith.constant 0 : i32
      %dma_start3A_33 = arith.constant 0 : i32
      %dma_start3A_34 = tpu.memref_slice %arg3[%add3A, %run_scoped3A, %dma_start3A_32, %dma_start3A_33] : memref<32x80x2x125xi32, #tpu.memory_space<hbm>> -> memref<1x1x2x125xi32, #tpu.memory_space<hbm>>
      %dma_start3A_35 = tpu.memref_squeeze %dma_start3A_34 : memref<1x1x2x125xi32, #tpu.memory_space<hbm>> -> memref<2x125xi32, #tpu.memory_space<hbm>>
      tpu.enqueue_dma source(%dma_start3A_35 : memref<2x125xi32, #tpu.memory_space<hbm>>) target(%arg6 : memref<2x125xi32, #tpu.memory_space<vmem>>) target_semaphore(%run_scoped3A_27 : memref<!tpu.dma_semaphore, #tpu.memory_space<semaphore_mem>>)
      %dma_wait3A = arith.constant 0 : i32
      %dma_wait3A_36 = arith.constant 0 : i32
      %dma_wait3A_37 = tpu.memref_slice %arg3[%add3A, %run_scoped3A, %dma_wait3A, %dma_wait3A_36] : memref<32x80x2x125xi32, #tpu.memory_space<hbm>> -> memref<1x1x2x125xi32, #tpu.memory_space<hbm>>
      %dma_wait3A_38 = tpu.memref_squeeze %dma_wait3A_37 : memref<1x1x2x125xi32, #tpu.memory_space<hbm>> -> memref<2x125xi32, #tpu.memory_space<hbm>>
      %dma_wait3A_39 = arith.constant 0 : i32
      %dma_wait3A_40 = arith.constant 0 : i32
      %dma_wait3A_41 = tpu.memref_slice %arg3[%add3A, %run_scoped3A, %dma_wait3A_39, %dma_wait3A_40] : memref<32x80x2x125xi32, #tpu.memory_space<hbm>> -> memref<1x1x2x125xi32, #tpu.memory_space<hbm>>
      %dma_wait3A_42 = tpu.memref_squeeze %dma_wait3A_41 : memref<1x1x2x125xi32, #tpu.memory_space<hbm>> -> memref<2x125xi32, #tpu.memory_space<hbm>>
      tpu.wait_dma2 semaphore(%run_scoped3A_27 : memref<!tpu.dma_semaphore, #tpu.memory_space<semaphore_mem>>) src(%dma_wait3A_42 : memref<2x125xi32, #tpu.memory_space<hbm>>) dst(%arg6 : memref<2x125xi32, #tpu.memory_space<vmem>>)
      tpu.yield
    }) : () -> ()
    %run_scoped3A_3 = arith.constant 1 : i32
    "tpu.region"() ({
      %run_scoped3A_27 = tpu.sem_alloc : memref<!tpu.dma_semaphore, #tpu.memory_space<semaphore_mem>>
      %dma_start3A_28 = arith.constant 0 : i32
      %dma_start3A_29 = arith.constant 0 : i32
      %dma_start3A_30 = tpu.memref_slice %arg3[%add3A, %run_scoped3A_3, %dma_start3A_28, %dma_start3A_29] : memref<32x80x2x125xi32, #tpu.memory_space<hbm>> -> memref<1x1x2x125xi32, #tpu.memory_space<hbm>>
      %dma_start3A_31 = tpu.memref_squeeze %dma_start3A_30 : memref<1x1x2x125xi32, #tpu.memory_space<hbm>> -> memref<2x125xi32, #tpu.memory_space<hbm>>
      %dma_start3A_32 = arith.constant 0 : i32
      %dma_start3A_33 = arith.constant 0 : i32
      %dma_start3A_34 = tpu.memref_slice %arg3[%add3A, %run_scoped3A_3, %dma_start3A_32, %dma_start3A_33] : memref<32x80x2x125xi32, #tpu.memory_space<hbm>> -> memref<1x1x2x125xi32, #tpu.memory_space<hbm>>
      %dma_start3A_35 = tpu.memref_squeeze %dma_start3A_34 : memref<1x1x2x125xi32, #tpu.memory_space<hbm>> -> memref<2x125xi32, #tpu.memory_space<hbm>>
      tpu.enqueue_dma source(%dma_start3A_35 : memref<2x125xi32, #tpu.memory_space<hbm>>) target(%arg7 : memref<2x125xi32, #tpu.memory_space<vmem>>) target_semaphore(%run_scoped3A_27 : memref<!tpu.dma_semaphore, #tpu.memory_space<semaphore_mem>>)
      %dma_wait3A = arith.constant 0 : i32
      %dma_wait3A_36 = arith.constant 0 : i32
      %dma_wait3A_37 = tpu.memref_slice %arg3[%add3A, %run_scoped3A_3, %dma_wait3A, %dma_wait3A_36] : memref<32x80x2x125xi32, #tpu.memory_space<hbm>> -> memref<1x1x2x125xi32, #tpu.memory_space<hbm>>
      %dma_wait3A_38 = tpu.memref_squeeze %dma_wait3A_37 : memref<1x1x2x125xi32, #tpu.memory_space<hbm>> -> memref<2x125xi32, #tpu.memory_space<hbm>>
      %dma_wait3A_39 = arith.constant 0 : i32
      %dma_wait3A_40 = arith.constant 0 : i32
      %dma_wait3A_41 = tpu.memref_slice %arg3[%add3A, %run_scoped3A_3, %dma_wait3A_39, %dma_wait3A_40] : memref<32x80x2x125xi32, #tpu.memory_space<hbm>> -> memref<1x1x2x125xi32, #tpu.memory_space<hbm>>
      %dma_wait3A_42 = tpu.memref_squeeze %dma_wait3A_41 : memref<1x1x2x125xi32, #tpu.memory_space<hbm>> -> memref<2x125xi32, #tpu.memory_space<hbm>>
      tpu.wait_dma2 semaphore(%run_scoped3A_27 : memref<!tpu.dma_semaphore, #tpu.memory_space<semaphore_mem>>) src(%dma_wait3A_42 : memref<2x125xi32, #tpu.memory_space<hbm>>) dst(%arg7 : memref<2x125xi32, #tpu.memory_space<vmem>>)
      tpu.yield
    }) : () -> ()
    %run_scoped3A_4 = arith.constant 2 : i32
    "tpu.region"() ({
      %run_scoped3A_27 = tpu.sem_alloc : memref<!tpu.dma_semaphore, #tpu.memory_space<semaphore_mem>>
      %dma_start3A_28 = arith.constant 0 : i32
      %dma_start3A_29 = arith.constant 0 : i32
      %dma_start3A_30 = tpu.memref_slice %arg3[%add3A, %run_scoped3A_4, %dma_start3A_28, %dma_start3A_29] : memref<32x80x2x125xi32, #tpu.memory_space<hbm>> -> memref<1x1x2x125xi32, #tpu.memory_space<hbm>>
      %dma_start3A_31 = tpu.memref_squeeze %dma_start3A_30 : memref<1x1x2x125xi32, #tpu.memory_space<hbm>> -> memref<2x125xi32, #tpu.memory_space<hbm>>
      %dma_start3A_32 = arith.constant 0 : i32
      %dma_start3A_33 = arith.constant 0 : i32
      %dma_start3A_34 = tpu.memref_slice %arg3[%add3A, %run_scoped3A_4, %dma_start3A_32, %dma_start3A_33] : memref<32x80x2x125xi32, #tpu.memory_space<hbm>> -> memref<1x1x2x125xi32, #tpu.memory_space<hbm>>
      %dma_start3A_35 = tpu.memref_squeeze %dma_start3A_34 : memref<1x1x2x125xi32, #tpu.memory_space<hbm>> -> memref<2x125xi32, #tpu.memory_space<hbm>>
      tpu.enqueue_dma source(%dma_start3A_35 : memref<2x125xi32, #tpu.memory_space<hbm>>) target(%arg8 : memref<2x125xi32, #tpu.memory_space<vmem>>) target_semaphore(%run_scoped3A_27 : memref<!tpu.dma_semaphore, #tpu.memory_space<semaphore_mem>>)
      %dma_wait3A = arith.constant 0 : i32
      %dma_wait3A_36 = arith.constant 0 : i32
      %dma_wait3A_37 = tpu.memref_slice %arg3[%add3A, %run_scoped3A_4, %dma_wait3A, %dma_wait3A_36] : memref<32x80x2x125xi32, #tpu.memory_space<hbm>> -> memref<1x1x2x125xi32, #tpu.memory_space<hbm>>
      %dma_wait3A_38 = tpu.memref_squeeze %dma_wait3A_37 : memref<1x1x2x125xi32, #tpu.memory_space<hbm>> -> memref<2x125xi32, #tpu.memory_space<hbm>>
      %dma_wait3A_39 = arith.constant 0 : i32
      %dma_wait3A_40 = arith.constant 0 : i32
      %dma_wait3A_41 = tpu.memref_slice %arg3[%add3A, %run_scoped3A_4, %dma_wait3A_39, %dma_wait3A_40] : memref<32x80x2x125xi32, #tpu.memory_space<hbm>> -> memref<1x1x2x125xi32, #tpu.memory_space<hbm>>
      %dma_wait3A_42 = tpu.memref_squeeze %dma_wait3A_41 : memref<1x1x2x125xi32, #tpu.memory_space<hbm>> -> memref<2x125xi32, #tpu.memory_space<hbm>>
      tpu.wait_dma2 semaphore(%run_scoped3A_27 : memref<!tpu.dma_semaphore, #tpu.memory_space<semaphore_mem>>) src(%dma_wait3A_42 : memref<2x125xi32, #tpu.memory_space<hbm>>) dst(%arg8 : memref<2x125xi32, #tpu.memory_space<vmem>>)
      tpu.yield
    }) : () -> ()
    %run_scoped3A_5 = arith.constant 3 : i32
    "tpu.region"() ({
      %run_scoped3A_27 = tpu.sem_alloc : memref<!tpu.dma_semaphore, #tpu.memory_space<semaphore_mem>>
      %dma_start3A_28 = arith.constant 0 : i32
      %dma_start3A_29 = arith.constant 0 : i32
      %dma_start3A_30 = tpu.memref_slice %arg3[%add3A, %run_scoped3A_5, %dma_start3A_28, %dma_start3A_29] : memref<32x80x2x125xi32, #tpu.memory_space<hbm>> -> memref<1x1x2x125xi32, #tpu.memory_space<hbm>>
      %dma_start3A_31 = tpu.memref_squeeze %dma_start3A_30 : memref<1x1x2x125xi32, #tpu.memory_space<hbm>> -> memref<2x125xi32, #tpu.memory_space<hbm>>
      %dma_start3A_32 = arith.constant 0 : i32
      %dma_start3A_33 = arith.constant 0 : i32
      %dma_start3A_34 = tpu.memref_slice %arg3[%add3A, %run_scoped3A_5, %dma_start3A_32, %dma_start3A_33] : memref<32x80x2x125xi32, #tpu.memory_space<hbm>> -> memref<1x1x2x125xi32, #tpu.memory_space<hbm>>
      %dma_start3A_35 = tpu.memref_squeeze %dma_start3A_34 : memref<1x1x2x125xi32, #tpu.memory_space<hbm>> -> memref<2x125xi32, #tpu.memory_space<hbm>>
      tpu.enqueue_dma source(%dma_start3A_35 : memref<2x125xi32, #tpu.memory_space<hbm>>) target(%arg9 : memref<2x125xi32, #tpu.memory_space<vmem>>) target_semaphore(%run_scoped3A_27 : memref<!tpu.dma_semaphore, #tpu.memory_space<semaphore_mem>>)
      %dma_wait3A = arith.constant 0 : i32
      %dma_wait3A_36 = arith.constant 0 : i32
      %dma_wait3A_37 = tpu.memref_slice %arg3[%add3A, %run_scoped3A_5, %dma_wait3A, %dma_wait3A_36] : memref<32x80x2x125xi32, #tpu.memory_space<hbm>> -> memref<1x1x2x125xi32, #tpu.memory_space<hbm>>
      %dma_wait3A_38 = tpu.memref_squeeze %dma_wait3A_37 : memref<1x1x2x125xi32, #tpu.memory_space<hbm>> -> memref<2x125xi32, #tpu.memory_space<hbm>>
      %dma_wait3A_39 = arith.constant 0 : i32
      %dma_wait3A_40 = arith.constant 0 : i32
      %dma_wait3A_41 = tpu.memref_slice %arg3[%add3A, %run_scoped3A_5, %dma_wait3A_39, %dma_wait3A_40] : memref<32x80x2x125xi32, #tpu.memory_space<hbm>> -> memref<1x1x2x125xi32, #tpu.memory_space<hbm>>
      %dma_wait3A_42 = tpu.memref_squeeze %dma_wait3A_41 : memref<1x1x2x125xi32, #tpu.memory_space<hbm>> -> memref<2x125xi32, #tpu.memory_space<hbm>>
      tpu.wait_dma2 semaphore(%run_scoped3A_27 : memref<!tpu.dma_semaphore, #tpu.memory_space<semaphore_mem>>) src(%dma_wait3A_42 : memref<2x125xi32, #tpu.memory_space<hbm>>) dst(%arg9 : memref<2x125xi32, #tpu.memory_space<vmem>>)
      tpu.yield
    }) : () -> ()
    %dma_start3A = arith.constant 0 : i32
    %dma_start3A_6 = arith.constant 0 : i32
    %dma_start3A_7 = tpu.memref_slice %arg6[%dma_start3A, %dma_start3A_6] : memref<2x125xi32, #tpu.memory_space<vmem>> -> memref<1x125xi32, #tpu.memory_space<vmem>>
    %dma_start3A_8 = tpu.memref_squeeze %dma_start3A_7 : memref<1x125xi32, #tpu.memory_space<vmem>> -> memref<125xi32, #tpu.memory_space<vmem>>
    %dma_start3A_9 = arith.constant 0 : i32
    %dma_start3A_10 = arith.constant 0 : i32
    %dma_start3A_11 = tpu.memref_slice %arg2[%dma_start3A_9, %dma_start3A_10] : memref<20480x128xf32, #tpu.memory_space<hbm>> -> memref<20480x128xf32, #tpu.memory_space<hbm>>
    tpu.enqueue_indirect_dma source(%dma_start3A_11 : memref<20480x128xf32, #tpu.memory_space<hbm>>) target(%arg10 : memref<125x128xf32, #tpu.memory_space<vmem>>) offsets(%dma_start3A_8 : memref<125xi32, #tpu.memory_space<vmem>>) semaphore(%arg13 : memref<!tpu.dma_semaphore, #tpu.memory_space<semaphore_mem>>)
    %dma_start3A_12 = arith.constant 0 : i32
    %dma_start3A_13 = arith.constant 0 : i32
    %dma_start3A_14 = tpu.memref_slice %arg7[%dma_start3A_12, %dma_start3A_13] : memref<2x125xi32, #tpu.memory_space<vmem>> -> memref<1x125xi32, #tpu.memory_space<vmem>>
    %dma_start3A_15 = tpu.memref_squeeze %dma_start3A_14 : memref<1x125xi32, #tpu.memory_space<vmem>> -> memref<125xi32, #tpu.memory_space<vmem>>
    %dma_start3A_16 = arith.constant 0 : i32
    %dma_start3A_17 = arith.constant 0 : i32
    %dma_start3A_18 = tpu.memref_slice %arg2[%dma_start3A_16, %dma_start3A_17] : memref<20480x128xf32, #tpu.memory_space<hbm>> -> memref<20480x128xf32, #tpu.memory_space<hbm>>
    tpu.enqueue_indirect_dma source(%dma_start3A_18 : memref<20480x128xf32, #tpu.memory_space<hbm>>) target(%arg11 : memref<125x128xf32, #tpu.memory_space<vmem>>) offsets(%dma_start3A_15 : memref<125xi32, #tpu.memory_space<vmem>>) semaphore(%arg14 : memref<!tpu.dma_semaphore, #tpu.memory_space<semaphore_mem>>)
    %barrier3A = arith.constant 0 : index
    tpu.barrier barrier_id(%barrier3A)
    %scan3A = arith.constant 0 : i32
    %scan3A_19 = arith.constant 20 : i32
    %scan3A_20 = arith.addi %scan3A, %scan3A_19 : i32
    %scan3A_21 = arith.constant 1 : i32
    scf.for %scan3A_27 = %scan3A to %scan3A_20 step %scan3A_21  : i32 {
      %mul3A_28 = arith.constant 4 : i32
      %mul3A_29 = arith.muli %scan3A_27, %mul3A_28 : i32
      %add3A_30 = arith.constant 0 : i32
      %add3A_31 = arith.addi %add3A_30, %mul3A_29 : i32
      %add3A_32 = arith.constant 0 : i32
      %add3A_33 = arith.addi %add3A_31, %add3A_32 : i32
      %dma_wait3A = arith.constant 0 : i32
      %dma_wait3A_34 = arith.constant 0 : i32
      %dma_wait3A_35 = tpu.memref_slice %arg6[%dma_wait3A, %dma_wait3A_34] : memref<2x125xi32, #tpu.memory_space<vmem>> -> memref<1x125xi32, #tpu.memory_space<vmem>>
      %dma_wait3A_36 = tpu.memref_squeeze %dma_wait3A_35 : memref<1x125xi32, #tpu.memory_space<vmem>> -> memref<125xi32, #tpu.memory_space<vmem>>
      %dma_wait3A_37 = arith.constant 0 : i32
      %dma_wait3A_38 = arith.constant 0 : i32
      %dma_wait3A_39 = tpu.memref_slice %arg2[%dma_wait3A_37, %dma_wait3A_38] : memref<20480x128xf32, #tpu.memory_space<hbm>> -> memref<20480x128xf32, #tpu.memory_space<hbm>>
      tpu.wait_indirect_dma semaphore(%arg13 : memref<!tpu.dma_semaphore, #tpu.memory_space<semaphore_mem>>) src(%dma_wait3A_39 : memref<20480x128xf32, #tpu.memory_space<hbm>>) dst(%arg10 : memref<125x128xf32, #tpu.memory_space<vmem>>)
      %run_scoped3A_40 = arith.constant 1 : i32
      "tpu.region"() ({
        %run_scoped3A_124 = tpu.sem_alloc : memref<!tpu.dma_semaphore, #tpu.memory_space<semaphore_mem>>
        %dma_start3A_125 = arith.constant 0 : i32
        %dma_start3A_126 = tpu.memref_slice %arg6[%run_scoped3A_40, %dma_start3A_125] : memref<2x125xi32, #tpu.memory_space<vmem>> -> memref<1x125xi32, #tpu.memory_space<vmem>>
        %dma_start3A_127 = tpu.memref_squeeze %dma_start3A_126 : memref<1x125xi32, #tpu.memory_space<vmem>> -> memref<125xi32, #tpu.memory_space<vmem>>
        %dma_start3A_128 = arith.constant 0 : i32
        %dma_start3A_129 = arith.constant 0 : i32
        %dma_start3A_130 = tpu.memref_slice %arg12[%dma_start3A_128, %dma_start3A_129] : memref<10240x128xf32, #tpu.memory_space<vmem_shared>> -> memref<10240x128xf32, #tpu.memory_space<vmem_shared>>
        tpu.enqueue_indirect_dma source(%arg10 : memref<125x128xf32, #tpu.memory_space<vmem>>) target(%dma_start3A_130 : memref<10240x128xf32, #tpu.memory_space<vmem_shared>>) offsets(%dma_start3A_127 : memref<125xi32, #tpu.memory_space<vmem>>) semaphore(%run_scoped3A_124 : memref<!tpu.dma_semaphore, #tpu.memory_space<semaphore_mem>>) {add = true}
        %dma_wait3A_131 = arith.constant 0 : i32
        %dma_wait3A_132 = tpu.memref_slice %arg6[%run_scoped3A_40, %dma_wait3A_131] : memref<2x125xi32, #tpu.memory_space<vmem>> -> memref<1x125xi32, #tpu.memory_space<vmem>>
        %dma_wait3A_133 = tpu.memref_squeeze %dma_wait3A_132 : memref<1x125xi32, #tpu.memory_space<vmem>> -> memref<125xi32, #tpu.memory_space<vmem>>
        %dma_wait3A_134 = arith.constant 0 : i32
        %dma_wait3A_135 = arith.constant 0 : i32
        %dma_wait3A_136 = tpu.memref_slice %arg12[%dma_wait3A_134, %dma_wait3A_135] : memref<10240x128xf32, #tpu.memory_space<vmem_shared>> -> memref<10240x128xf32, #tpu.memory_space<vmem_shared>>
        tpu.wait_indirect_dma semaphore(%run_scoped3A_124 : memref<!tpu.dma_semaphore, #tpu.memory_space<semaphore_mem>>) src(%arg10 : memref<125x128xf32, #tpu.memory_space<vmem>>) dst(%dma_wait3A_136 : memref<10240x128xf32, #tpu.memory_space<vmem_shared>>)
        tpu.yield
      }) : () -> ()
      %add3A_41 = arith.constant 4 : i32
      %add3A_42 = arith.addi %add3A_33, %add3A_41 : i32
      %lt3A = arith.constant 80 : i32
      %lt3A_43 = arith.cmpi slt, %add3A_42, %lt3A : i32
      %convert_element_type3A = arith.extui %lt3A_43 : i1 to i32
      %cond3A = arith.constant 0 : i32
      %cond3A_44 = arith.cmpi ne, %convert_element_type3A, %cond3A : i32
      scf.if %cond3A_44 {
        %add3A_124 = arith.constant 4 : i32
        %add3A_125 = arith.addi %add3A_33, %add3A_124 : i32
        %dma_start3A_126 = arith.constant 0 : i32
        %dma_start3A_127 = arith.constant 0 : i32
        %dma_start3A_128 = tpu.memref_slice %arg3[%add3A, %add3A_125, %dma_start3A_126, %dma_start3A_127] : memref<32x80x2x125xi32, #tpu.memory_space<hbm>> -> memref<1x1x2x125xi32, #tpu.memory_space<hbm>>
        %dma_start3A_129 = tpu.memref_squeeze %dma_start3A_128 : memref<1x1x2x125xi32, #tpu.memory_space<hbm>> -> memref<2x125xi32, #tpu.memory_space<hbm>>
        %dma_start3A_130 = arith.constant 0 : i32
        %dma_start3A_131 = arith.constant 0 : i32
        %dma_start3A_132 = tpu.memref_slice %arg3[%add3A, %add3A_125, %dma_start3A_130, %dma_start3A_131] : memref<32x80x2x125xi32, #tpu.memory_space<hbm>> -> memref<1x1x2x125xi32, #tpu.memory_space<hbm>>
        %dma_start3A_133 = tpu.memref_squeeze %dma_start3A_132 : memref<1x1x2x125xi32, #tpu.memory_space<hbm>> -> memref<2x125xi32, #tpu.memory_space<hbm>>
        tpu.enqueue_dma source(%dma_start3A_133 : memref<2x125xi32, #tpu.memory_space<hbm>>) target(%arg6 : memref<2x125xi32, #tpu.memory_space<vmem>>) target_semaphore(%arg15 : memref<!tpu.dma_semaphore, #tpu.memory_space<semaphore_mem>>)
      } else {
      }
      %add3A_45 = arith.constant 2 : i32
      %add3A_46 = arith.addi %add3A_33, %add3A_45 : i32
      %lt3A_47 = arith.constant 80 : i32
      %lt3A_48 = arith.cmpi slt, %add3A_46, %lt3A_47 : i32
      %convert_element_type3A_49 = arith.extui %lt3A_48 : i1 to i32
      %cond3A_50 = arith.constant 0 : i32
      %cond3A_51 = arith.cmpi ne, %convert_element_type3A_49, %cond3A_50 : i32
      scf.if %cond3A_51 {
        %add3A_124 = arith.constant 2 : i32
        %add3A_125 = arith.addi %add3A_33, %add3A_124 : i32
        %ge3A = arith.constant 4 : i32
        %ge3A_126 = arith.cmpi sge, %add3A_125, %ge3A : i32
        %convert_element_type3A_127 = arith.extui %ge3A_126 : i1 to i32
        %cond3A_128 = arith.constant 0 : i32
        %cond3A_129 = arith.cmpi ne, %convert_element_type3A_127, %cond3A_128 : i32
        scf.if %cond3A_129 {
          %add3A_137 = arith.constant 2 : i32
          %add3A_138 = arith.addi %add3A_33, %add3A_137 : i32
          %dma_wait3A_139 = arith.constant 0 : i32
          %dma_wait3A_140 = arith.constant 0 : i32
          %dma_wait3A_141 = tpu.memref_slice %arg3[%add3A, %add3A_138, %dma_wait3A_139, %dma_wait3A_140] : memref<32x80x2x125xi32, #tpu.memory_space<hbm>> -> memref<1x1x2x125xi32, #tpu.memory_space<hbm>>
          %dma_wait3A_142 = tpu.memref_squeeze %dma_wait3A_141 : memref<1x1x2x125xi32, #tpu.memory_space<hbm>> -> memref<2x125xi32, #tpu.memory_space<hbm>>
          %dma_wait3A_143 = arith.constant 0 : i32
          %dma_wait3A_144 = arith.constant 0 : i32
          %dma_wait3A_145 = tpu.memref_slice %arg3[%add3A, %add3A_138, %dma_wait3A_143, %dma_wait3A_144] : memref<32x80x2x125xi32, #tpu.memory_space<hbm>> -> memref<1x1x2x125xi32, #tpu.memory_space<hbm>>
          %dma_wait3A_146 = tpu.memref_squeeze %dma_wait3A_145 : memref<1x1x2x125xi32, #tpu.memory_space<hbm>> -> memref<2x125xi32, #tpu.memory_space<hbm>>
          tpu.wait_dma2 semaphore(%arg17 : memref<!tpu.dma_semaphore, #tpu.memory_space<semaphore_mem>>) src(%dma_wait3A_146 : memref<2x125xi32, #tpu.memory_space<hbm>>) dst(%arg8 : memref<2x125xi32, #tpu.memory_space<vmem>>)
        } else {
        }
        %dma_start3A_130 = arith.constant 0 : i32
        %dma_start3A_131 = arith.constant 0 : i32
        %dma_start3A_132 = tpu.memref_slice %arg8[%dma_start3A_130, %dma_start3A_131] : memref<2x125xi32, #tpu.memory_space<vmem>> -> memref<1x125xi32, #tpu.memory_space<vmem>>
        %dma_start3A_133 = tpu.memref_squeeze %dma_start3A_132 : memref<1x125xi32, #tpu.memory_space<vmem>> -> memref<125xi32, #tpu.memory_space<vmem>>
        %dma_start3A_134 = arith.constant 0 : i32
        %dma_start3A_135 = arith.constant 0 : i32
        %dma_start3A_136 = tpu.memref_slice %arg2[%dma_start3A_134, %dma_start3A_135] : memref<20480x128xf32, #tpu.memory_space<hbm>> -> memref<20480x128xf32, #tpu.memory_space<hbm>>
        tpu.enqueue_indirect_dma source(%dma_start3A_136 : memref<20480x128xf32, #tpu.memory_space<hbm>>) target(%arg10 : memref<125x128xf32, #tpu.memory_space<vmem>>) offsets(%dma_start3A_133 : memref<125xi32, #tpu.memory_space<vmem>>) semaphore(%arg13 : memref<!tpu.dma_semaphore, #tpu.memory_space<semaphore_mem>>)
      } else {
      }
      %add3A_52 = arith.constant 1 : i32
      %add3A_53 = arith.addi %add3A_31, %add3A_52 : i32
      %dma_wait3A_54 = arith.constant 0 : i32
      %dma_wait3A_55 = arith.constant 0 : i32
      %dma_wait3A_56 = tpu.memref_slice %arg7[%dma_wait3A_54, %dma_wait3A_55] : memref<2x125xi32, #tpu.memory_space<vmem>> -> memref<1x125xi32, #tpu.memory_space<vmem>>
      %dma_wait3A_57 = tpu.memref_squeeze %dma_wait3A_56 : memref<1x125xi32, #tpu.memory_space<vmem>> -> memref<125xi32, #tpu.memory_space<vmem>>
      %dma_wait3A_58 = arith.constant 0 : i32
      %dma_wait3A_59 = arith.constant 0 : i32
      %dma_wait3A_60 = tpu.memref_slice %arg2[%dma_wait3A_58, %dma_wait3A_59] : memref<20480x128xf32, #tpu.memory_space<hbm>> -> memref<20480x128xf32, #tpu.memory_space<hbm>>
      tpu.wait_indirect_dma semaphore(%arg14 : memref<!tpu.dma_semaphore, #tpu.memory_space<semaphore_mem>>) src(%dma_wait3A_60 : memref<20480x128xf32, #tpu.memory_space<hbm>>) dst(%arg11 : memref<125x128xf32, #tpu.memory_space<vmem>>)
      %run_scoped3A_61 = arith.constant 1 : i32
      "tpu.region"() ({
        %run_scoped3A_124 = tpu.sem_alloc : memref<!tpu.dma_semaphore, #tpu.memory_space<semaphore_mem>>
        %dma_start3A_125 = arith.constant 0 : i32
        %dma_start3A_126 = tpu.memref_slice %arg7[%run_scoped3A_61, %dma_start3A_125] : memref<2x125xi32, #tpu.memory_space<vmem>> -> memref<1x125xi32, #tpu.memory_space<vmem>>
        %dma_start3A_127 = tpu.memref_squeeze %dma_start3A_126 : memref<1x125xi32, #tpu.memory_space<vmem>> -> memref<125xi32, #tpu.memory_space<vmem>>
        %dma_start3A_128 = arith.constant 0 : i32
        %dma_start3A_129 = arith.constant 0 : i32
        %dma_start3A_130 = tpu.memref_slice %arg12[%dma_start3A_128, %dma_start3A_129] : memref<10240x128xf32, #tpu.memory_space<vmem_shared>> -> memref<10240x128xf32, #tpu.memory_space<vmem_shared>>
        tpu.enqueue_indirect_dma source(%arg11 : memref<125x128xf32, #tpu.memory_space<vmem>>) target(%dma_start3A_130 : memref<10240x128xf32, #tpu.memory_space<vmem_shared>>) offsets(%dma_start3A_127 : memref<125xi32, #tpu.memory_space<vmem>>) semaphore(%run_scoped3A_124 : memref<!tpu.dma_semaphore, #tpu.memory_space<semaphore_mem>>) {add = true}
        %dma_wait3A_131 = arith.constant 0 : i32
        %dma_wait3A_132 = tpu.memref_slice %arg7[%run_scoped3A_61, %dma_wait3A_131] : memref<2x125xi32, #tpu.memory_space<vmem>> -> memref<1x125xi32, #tpu.memory_space<vmem>>
        %dma_wait3A_133 = tpu.memref_squeeze %dma_wait3A_132 : memref<1x125xi32, #tpu.memory_space<vmem>> -> memref<125xi32, #tpu.memory_space<vmem>>
        %dma_wait3A_134 = arith.constant 0 : i32
        %dma_wait3A_135 = arith.constant 0 : i32
        %dma_wait3A_136 = tpu.memref_slice %arg12[%dma_wait3A_134, %dma_wait3A_135] : memref<10240x128xf32, #tpu.memory_space<vmem_shared>> -> memref<10240x128xf32, #tpu.memory_space<vmem_shared>>
        tpu.wait_indirect_dma semaphore(%run_scoped3A_124 : memref<!tpu.dma_semaphore, #tpu.memory_space<semaphore_mem>>) src(%arg11 : memref<125x128xf32, #tpu.memory_space<vmem>>) dst(%dma_wait3A_136 : memref<10240x128xf32, #tpu.memory_space<vmem_shared>>)
        tpu.yield
      }) : () -> ()
      %add3A_62 = arith.constant 4 : i32
      %add3A_63 = arith.addi %add3A_53, %add3A_62 : i32
      %lt3A_64 = arith.constant 80 : i32
      %lt3A_65 = arith.cmpi slt, %add3A_63, %lt3A_64 : i32
      %convert_element_type3A_66 = arith.extui %lt3A_65 : i1 to i32
      %cond3A_67 = arith.constant 0 : i32
      %cond3A_68 = arith.cmpi ne, %convert_element_type3A_66, %cond3A_67 : i32
      scf.if %cond3A_68 {
        %add3A_124 = arith.constant 4 : i32
        %add3A_125 = arith.addi %add3A_53, %add3A_124 : i32
        %dma_start3A_126 = arith.constant 0 : i32
        %dma_start3A_127 = arith.constant 0 : i32
        %dma_start3A_128 = tpu.memref_slice %arg3[%add3A, %add3A_125, %dma_start3A_126, %dma_start3A_127] : memref<32x80x2x125xi32, #tpu.memory_space<hbm>> -> memref<1x1x2x125xi32, #tpu.memory_space<hbm>>
        %dma_start3A_129 = tpu.memref_squeeze %dma_start3A_128 : memref<1x1x2x125xi32, #tpu.memory_space<hbm>> -> memref<2x125xi32, #tpu.memory_space<hbm>>
        %dma_start3A_130 = arith.constant 0 : i32
        %dma_start3A_131 = arith.constant 0 : i32
        %dma_start3A_132 = tpu.memref_slice %arg3[%add3A, %add3A_125, %dma_start3A_130, %dma_start3A_131] : memref<32x80x2x125xi32, #tpu.memory_space<hbm>> -> memref<1x1x2x125xi32, #tpu.memory_space<hbm>>
        %dma_start3A_133 = tpu.memref_squeeze %dma_start3A_132 : memref<1x1x2x125xi32, #tpu.memory_space<hbm>> -> memref<2x125xi32, #tpu.memory_space<hbm>>
        tpu.enqueue_dma source(%dma_start3A_133 : memref<2x125xi32, #tpu.memory_space<hbm>>) target(%arg7 : memref<2x125xi32, #tpu.memory_space<vmem>>) target_semaphore(%arg16 : memref<!tpu.dma_semaphore, #tpu.memory_space<semaphore_mem>>)
      } else {
      }
      %add3A_69 = arith.constant 2 : i32
      %add3A_70 = arith.addi %add3A_53, %add3A_69 : i32
      %lt3A_71 = arith.constant 80 : i32
      %lt3A_72 = arith.cmpi slt, %add3A_70, %lt3A_71 : i32
      %convert_element_type3A_73 = arith.extui %lt3A_72 : i1 to i32
      %cond3A_74 = arith.constant 0 : i32
      %cond3A_75 = arith.cmpi ne, %convert_element_type3A_73, %cond3A_74 : i32
      scf.if %cond3A_75 {
        %add3A_124 = arith.constant 2 : i32
        %add3A_125 = arith.addi %add3A_53, %add3A_124 : i32
        %ge3A = arith.constant 4 : i32
        %ge3A_126 = arith.cmpi sge, %add3A_125, %ge3A : i32
        %convert_element_type3A_127 = arith.extui %ge3A_126 : i1 to i32
        %cond3A_128 = arith.constant 0 : i32
        %cond3A_129 = arith.cmpi ne, %convert_element_type3A_127, %cond3A_128 : i32
        scf.if %cond3A_129 {
          %add3A_137 = arith.constant 2 : i32
          %add3A_138 = arith.addi %add3A_53, %add3A_137 : i32
          %dma_wait3A_139 = arith.constant 0 : i32
          %dma_wait3A_140 = arith.constant 0 : i32
          %dma_wait3A_141 = tpu.memref_slice %arg3[%add3A, %add3A_138, %dma_wait3A_139, %dma_wait3A_140] : memref<32x80x2x125xi32, #tpu.memory_space<hbm>> -> memref<1x1x2x125xi32, #tpu.memory_space<hbm>>
          %dma_wait3A_142 = tpu.memref_squeeze %dma_wait3A_141 : memref<1x1x2x125xi32, #tpu.memory_space<hbm>> -> memref<2x125xi32, #tpu.memory_space<hbm>>
          %dma_wait3A_143 = arith.constant 0 : i32
          %dma_wait3A_144 = arith.constant 0 : i32
          %dma_wait3A_145 = tpu.memref_slice %arg3[%add3A, %add3A_138, %dma_wait3A_143, %dma_wait3A_144] : memref<32x80x2x125xi32, #tpu.memory_space<hbm>> -> memref<1x1x2x125xi32, #tpu.memory_space<hbm>>
          %dma_wait3A_146 = tpu.memref_squeeze %dma_wait3A_145 : memref<1x1x2x125xi32, #tpu.memory_space<hbm>> -> memref<2x125xi32, #tpu.memory_space<hbm>>
          tpu.wait_dma2 semaphore(%arg18 : memref<!tpu.dma_semaphore, #tpu.memory_space<semaphore_mem>>) src(%dma_wait3A_146 : memref<2x125xi32, #tpu.memory_space<hbm>>) dst(%arg9 : memref<2x125xi32, #tpu.memory_space<vmem>>)
        } else {
        }
        %dma_start3A_130 = arith.constant 0 : i32
        %dma_start3A_131 = arith.constant 0 : i32
        %dma_start3A_132 = tpu.memref_slice %arg9[%dma_start3A_130, %dma_start3A_131] : memref<2x125xi32, #tpu.memory_space<vmem>> -> memref<1x125xi32, #tpu.memory_space<vmem>>
        %dma_start3A_133 = tpu.memref_squeeze %dma_start3A_132 : memref<1x125xi32, #tpu.memory_space<vmem>> -> memref<125xi32, #tpu.memory_space<vmem>>
        %dma_start3A_134 = arith.constant 0 : i32
        %dma_start3A_135 = arith.constant 0 : i32
        %dma_start3A_136 = tpu.memref_slice %arg2[%dma_start3A_134, %dma_start3A_135] : memref<20480x128xf32, #tpu.memory_space<hbm>> -> memref<20480x128xf32, #tpu.memory_space<hbm>>
        tpu.enqueue_indirect_dma source(%dma_start3A_136 : memref<20480x128xf32, #tpu.memory_space<hbm>>) target(%arg11 : memref<125x128xf32, #tpu.memory_space<vmem>>) offsets(%dma_start3A_133 : memref<125xi32, #tpu.memory_space<vmem>>) semaphore(%arg14 : memref<!tpu.dma_semaphore, #tpu.memory_space<semaphore_mem>>)
      } else {
      }
      %add3A_76 = arith.constant 2 : i32
      %add3A_77 = arith.addi %add3A_31, %add3A_76 : i32
      %dma_wait3A_78 = arith.constant 0 : i32
      %dma_wait3A_79 = arith.constant 0 : i32
      %dma_wait3A_80 = tpu.memref_slice %arg8[%dma_wait3A_78, %dma_wait3A_79] : memref<2x125xi32, #tpu.memory_space<vmem>> -> memref<1x125xi32, #tpu.memory_space<vmem>>
      %dma_wait3A_81 = tpu.memref_squeeze %dma_wait3A_80 : memref<1x125xi32, #tpu.memory_space<vmem>> -> memref<125xi32, #tpu.memory_space<vmem>>
      %dma_wait3A_82 = arith.constant 0 : i32
      %dma_wait3A_83 = arith.constant 0 : i32
      %dma_wait3A_84 = tpu.memref_slice %arg2[%dma_wait3A_82, %dma_wait3A_83] : memref<20480x128xf32, #tpu.memory_space<hbm>> -> memref<20480x128xf32, #tpu.memory_space<hbm>>
      tpu.wait_indirect_dma semaphore(%arg13 : memref<!tpu.dma_semaphore, #tpu.memory_space<semaphore_mem>>) src(%dma_wait3A_84 : memref<20480x128xf32, #tpu.memory_space<hbm>>) dst(%arg10 : memref<125x128xf32, #tpu.memory_space<vmem>>)
      %run_scoped3A_85 = arith.constant 1 : i32
      "tpu.region"() ({
        %run_scoped3A_124 = tpu.sem_alloc : memref<!tpu.dma_semaphore, #tpu.memory_space<semaphore_mem>>
        %dma_start3A_125 = arith.constant 0 : i32
        %dma_start3A_126 = tpu.memref_slice %arg8[%run_scoped3A_85, %dma_start3A_125] : memref<2x125xi32, #tpu.memory_space<vmem>> -> memref<1x125xi32, #tpu.memory_space<vmem>>
        %dma_start3A_127 = tpu.memref_squeeze %dma_start3A_126 : memref<1x125xi32, #tpu.memory_space<vmem>> -> memref<125xi32, #tpu.memory_space<vmem>>
        %dma_start3A_128 = arith.constant 0 : i32
        %dma_start3A_129 = arith.constant 0 : i32
        %dma_start3A_130 = tpu.memref_slice %arg12[%dma_start3A_128, %dma_start3A_129] : memref<10240x128xf32, #tpu.memory_space<vmem_shared>> -> memref<10240x128xf32, #tpu.memory_space<vmem_shared>>
        tpu.enqueue_indirect_dma source(%arg10 : memref<125x128xf32, #tpu.memory_space<vmem>>) target(%dma_start3A_130 : memref<10240x128xf32, #tpu.memory_space<vmem_shared>>) offsets(%dma_start3A_127 : memref<125xi32, #tpu.memory_space<vmem>>) semaphore(%run_scoped3A_124 : memref<!tpu.dma_semaphore, #tpu.memory_space<semaphore_mem>>) {add = true}
        %dma_wait3A_131 = arith.constant 0 : i32
        %dma_wait3A_132 = tpu.memref_slice %arg8[%run_scoped3A_85, %dma_wait3A_131] : memref<2x125xi32, #tpu.memory_space<vmem>> -> memref<1x125xi32, #tpu.memory_space<vmem>>
        %dma_wait3A_133 = tpu.memref_squeeze %dma_wait3A_132 : memref<1x125xi32, #tpu.memory_space<vmem>> -> memref<125xi32, #tpu.memory_space<vmem>>
        %dma_wait3A_134 = arith.constant 0 : i32
        %dma_wait3A_135 = arith.constant 0 : i32
        %dma_wait3A_136 = tpu.memref_slice %arg12[%dma_wait3A_134, %dma_wait3A_135] : memref<10240x128xf32, #tpu.memory_space<vmem_shared>> -> memref<10240x128xf32, #tpu.memory_space<vmem_shared>>
        tpu.wait_indirect_dma semaphore(%run_scoped3A_124 : memref<!tpu.dma_semaphore, #tpu.memory_space<semaphore_mem>>) src(%arg10 : memref<125x128xf32, #tpu.memory_space<vmem>>) dst(%dma_wait3A_136 : memref<10240x128xf32, #tpu.memory_space<vmem_shared>>)
        tpu.yield
      }) : () -> ()
      %add3A_86 = arith.constant 4 : i32
      %add3A_87 = arith.addi %add3A_77, %add3A_86 : i32
      %lt3A_88 = arith.constant 80 : i32
      %lt3A_89 = arith.cmpi slt, %add3A_87, %lt3A_88 : i32
      %convert_element_type3A_90 = arith.extui %lt3A_89 : i1 to i32
      %cond3A_91 = arith.constant 0 : i32
      %cond3A_92 = arith.cmpi ne, %convert_element_type3A_90, %cond3A_91 : i32
      scf.if %cond3A_92 {
        %add3A_124 = arith.constant 4 : i32
        %add3A_125 = arith.addi %add3A_77, %add3A_124 : i32
        %dma_start3A_126 = arith.constant 0 : i32
        %dma_start3A_127 = arith.constant 0 : i32
        %dma_start3A_128 = tpu.memref_slice %arg3[%add3A, %add3A_125, %dma_start3A_126, %dma_start3A_127] : memref<32x80x2x125xi32, #tpu.memory_space<hbm>> -> memref<1x1x2x125xi32, #tpu.memory_space<hbm>>
        %dma_start3A_129 = tpu.memref_squeeze %dma_start3A_128 : memref<1x1x2x125xi32, #tpu.memory_space<hbm>> -> memref<2x125xi32, #tpu.memory_space<hbm>>
        %dma_start3A_130 = arith.constant 0 : i32
        %dma_start3A_131 = arith.constant 0 : i32
        %dma_start3A_132 = tpu.memref_slice %arg3[%add3A, %add3A_125, %dma_start3A_130, %dma_start3A_131] : memref<32x80x2x125xi32, #tpu.memory_space<hbm>> -> memref<1x1x2x125xi32, #tpu.memory_space<hbm>>
        %dma_start3A_133 = tpu.memref_squeeze %dma_start3A_132 : memref<1x1x2x125xi32, #tpu.memory_space<hbm>> -> memref<2x125xi32, #tpu.memory_space<hbm>>
        tpu.enqueue_dma source(%dma_start3A_133 : memref<2x125xi32, #tpu.memory_space<hbm>>) target(%arg8 : memref<2x125xi32, #tpu.memory_space<vmem>>) target_semaphore(%arg17 : memref<!tpu.dma_semaphore, #tpu.memory_space<semaphore_mem>>)
      } else {
      }
      %add3A_93 = arith.constant 2 : i32
      %add3A_94 = arith.addi %add3A_77, %add3A_93 : i32
      %lt3A_95 = arith.constant 80 : i32
      %lt3A_96 = arith.cmpi slt, %add3A_94, %lt3A_95 : i32
      %convert_element_type3A_97 = arith.extui %lt3A_96 : i1 to i32
      %cond3A_98 = arith.constant 0 : i32
      %cond3A_99 = arith.cmpi ne, %convert_element_type3A_97, %cond3A_98 : i32
      scf.if %cond3A_99 {
        %add3A_124 = arith.constant 2 : i32
        %add3A_125 = arith.addi %add3A_77, %add3A_124 : i32
        %ge3A = arith.constant 4 : i32
        %ge3A_126 = arith.cmpi sge, %add3A_125, %ge3A : i32
        %convert_element_type3A_127 = arith.extui %ge3A_126 : i1 to i32
        %cond3A_128 = arith.constant 0 : i32
        %cond3A_129 = arith.cmpi ne, %convert_element_type3A_127, %cond3A_128 : i32
        scf.if %cond3A_129 {
          %add3A_137 = arith.constant 2 : i32
          %add3A_138 = arith.addi %add3A_77, %add3A_137 : i32
          %dma_wait3A_139 = arith.constant 0 : i32
          %dma_wait3A_140 = arith.constant 0 : i32
          %dma_wait3A_141 = tpu.memref_slice %arg3[%add3A, %add3A_138, %dma_wait3A_139, %dma_wait3A_140] : memref<32x80x2x125xi32, #tpu.memory_space<hbm>> -> memref<1x1x2x125xi32, #tpu.memory_space<hbm>>
          %dma_wait3A_142 = tpu.memref_squeeze %dma_wait3A_141 : memref<1x1x2x125xi32, #tpu.memory_space<hbm>> -> memref<2x125xi32, #tpu.memory_space<hbm>>
          %dma_wait3A_143 = arith.constant 0 : i32
          %dma_wait3A_144 = arith.constant 0 : i32
          %dma_wait3A_145 = tpu.memref_slice %arg3[%add3A, %add3A_138, %dma_wait3A_143, %dma_wait3A_144] : memref<32x80x2x125xi32, #tpu.memory_space<hbm>> -> memref<1x1x2x125xi32, #tpu.memory_space<hbm>>
          %dma_wait3A_146 = tpu.memref_squeeze %dma_wait3A_145 : memref<1x1x2x125xi32, #tpu.memory_space<hbm>> -> memref<2x125xi32, #tpu.memory_space<hbm>>
          tpu.wait_dma2 semaphore(%arg15 : memref<!tpu.dma_semaphore, #tpu.memory_space<semaphore_mem>>) src(%dma_wait3A_146 : memref<2x125xi32, #tpu.memory_space<hbm>>) dst(%arg6 : memref<2x125xi32, #tpu.memory_space<vmem>>)
        } else {
        }
        %dma_start3A_130 = arith.constant 0 : i32
        %dma_start3A_131 = arith.constant 0 : i32
        %dma_start3A_132 = tpu.memref_slice %arg6[%dma_start3A_130, %dma_start3A_131] : memref<2x125xi32, #tpu.memory_space<vmem>> -> memref<1x125xi32, #tpu.memory_space<vmem>>
        %dma_start3A_133 = tpu.memref_squeeze %dma_start3A_132 : memref<1x125xi32, #tpu.memory_space<vmem>> -> memref<125xi32, #tpu.memory_space<vmem>>
        %dma_start3A_134 = arith.constant 0 : i32
        %dma_start3A_135 = arith.constant 0 : i32
        %dma_start3A_136 = tpu.memref_slice %arg2[%dma_start3A_134, %dma_start3A_135] : memref<20480x128xf32, #tpu.memory_space<hbm>> -> memref<20480x128xf32, #tpu.memory_space<hbm>>
        tpu.enqueue_indirect_dma source(%dma_start3A_136 : memref<20480x128xf32, #tpu.memory_space<hbm>>) target(%arg10 : memref<125x128xf32, #tpu.memory_space<vmem>>) offsets(%dma_start3A_133 : memref<125xi32, #tpu.memory_space<vmem>>) semaphore(%arg13 : memref<!tpu.dma_semaphore, #tpu.memory_space<semaphore_mem>>)
      } else {
      }
      %add3A_100 = arith.constant 3 : i32
      %add3A_101 = arith.addi %add3A_31, %add3A_100 : i32
      %dma_wait3A_102 = arith.constant 0 : i32
      %dma_wait3A_103 = arith.constant 0 : i32
      %dma_wait3A_104 = tpu.memref_slice %arg9[%dma_wait3A_102, %dma_wait3A_103] : memref<2x125xi32, #tpu.memory_space<vmem>> -> memref<1x125xi32, #tpu.memory_space<vmem>>
      %dma_wait3A_105 = tpu.memref_squeeze %dma_wait3A_104 : memref<1x125xi32, #tpu.memory_space<vmem>> -> memref<125xi32, #tpu.memory_space<vmem>>
      %dma_wait3A_106 = arith.constant 0 : i32
      %dma_wait3A_107 = arith.constant 0 : i32
      %dma_wait3A_108 = tpu.memref_slice %arg2[%dma_wait3A_106, %dma_wait3A_107] : memref<20480x128xf32, #tpu.memory_space<hbm>> -> memref<20480x128xf32, #tpu.memory_space<hbm>>
      tpu.wait_indirect_dma semaphore(%arg14 : memref<!tpu.dma_semaphore, #tpu.memory_space<semaphore_mem>>) src(%dma_wait3A_108 : memref<20480x128xf32, #tpu.memory_space<hbm>>) dst(%arg11 : memref<125x128xf32, #tpu.memory_space<vmem>>)
      %run_scoped3A_109 = arith.constant 1 : i32
      "tpu.region"() ({
        %run_scoped3A_124 = tpu.sem_alloc : memref<!tpu.dma_semaphore, #tpu.memory_space<semaphore_mem>>
        %dma_start3A_125 = arith.constant 0 : i32
        %dma_start3A_126 = tpu.memref_slice %arg9[%run_scoped3A_109, %dma_start3A_125] : memref<2x125xi32, #tpu.memory_space<vmem>> -> memref<1x125xi32, #tpu.memory_space<vmem>>
        %dma_start3A_127 = tpu.memref_squeeze %dma_start3A_126 : memref<1x125xi32, #tpu.memory_space<vmem>> -> memref<125xi32, #tpu.memory_space<vmem>>
        %dma_start3A_128 = arith.constant 0 : i32
        %dma_start3A_129 = arith.constant 0 : i32
        %dma_start3A_130 = tpu.memref_slice %arg12[%dma_start3A_128, %dma_start3A_129] : memref<10240x128xf32, #tpu.memory_space<vmem_shared>> -> memref<10240x128xf32, #tpu.memory_space<vmem_shared>>
        tpu.enqueue_indirect_dma source(%arg11 : memref<125x128xf32, #tpu.memory_space<vmem>>) target(%dma_start3A_130 : memref<10240x128xf32, #tpu.memory_space<vmem_shared>>) offsets(%dma_start3A_127 : memref<125xi32, #tpu.memory_space<vmem>>) semaphore(%run_scoped3A_124 : memref<!tpu.dma_semaphore, #tpu.memory_space<semaphore_mem>>) {add = true}
        %dma_wait3A_131 = arith.constant 0 : i32
        %dma_wait3A_132 = tpu.memref_slice %arg9[%run_scoped3A_109, %dma_wait3A_131] : memref<2x125xi32, #tpu.memory_space<vmem>> -> memref<1x125xi32, #tpu.memory_space<vmem>>
        %dma_wait3A_133 = tpu.memref_squeeze %dma_wait3A_132 : memref<1x125xi32, #tpu.memory_space<vmem>> -> memref<125xi32, #tpu.memory_space<vmem>>
        %dma_wait3A_134 = arith.constant 0 : i32
        %dma_wait3A_135 = arith.constant 0 : i32
        %dma_wait3A_136 = tpu.memref_slice %arg12[%dma_wait3A_134, %dma_wait3A_135] : memref<10240x128xf32, #tpu.memory_space<vmem_shared>> -> memref<10240x128xf32, #tpu.memory_space<vmem_shared>>
        tpu.wait_indirect_dma semaphore(%run_scoped3A_124 : memref<!tpu.dma_semaphore, #tpu.memory_space<semaphore_mem>>) src(%arg11 : memref<125x128xf32, #tpu.memory_space<vmem>>) dst(%dma_wait3A_136 : memref<10240x128xf32, #tpu.memory_space<vmem_shared>>)
        tpu.yield
      }) : () -> ()
      %add3A_110 = arith.constant 4 : i32
      %add3A_111 = arith.addi %add3A_101, %add3A_110 : i32
      %lt3A_112 = arith.constant 80 : i32
      %lt3A_113 = arith.cmpi slt, %add3A_111, %lt3A_112 : i32
      %convert_element_type3A_114 = arith.extui %lt3A_113 : i1 to i32
      %cond3A_115 = arith.constant 0 : i32
      %cond3A_116 = arith.cmpi ne, %convert_element_type3A_114, %cond3A_115 : i32
      scf.if %cond3A_116 {
        %add3A_124 = arith.constant 4 : i32
        %add3A_125 = arith.addi %add3A_101, %add3A_124 : i32
        %dma_start3A_126 = arith.constant 0 : i32
        %dma_start3A_127 = arith.constant 0 : i32
        %dma_start3A_128 = tpu.memref_slice %arg3[%add3A, %add3A_125, %dma_start3A_126, %dma_start3A_127] : memref<32x80x2x125xi32, #tpu.memory_space<hbm>> -> memref<1x1x2x125xi32, #tpu.memory_space<hbm>>
        %dma_start3A_129 = tpu.memref_squeeze %dma_start3A_128 : memref<1x1x2x125xi32, #tpu.memory_space<hbm>> -> memref<2x125xi32, #tpu.memory_space<hbm>>
        %dma_start3A_130 = arith.constant 0 : i32
        %dma_start3A_131 = arith.constant 0 : i32
        %dma_start3A_132 = tpu.memref_slice %arg3[%add3A, %add3A_125, %dma_start3A_130, %dma_start3A_131] : memref<32x80x2x125xi32, #tpu.memory_space<hbm>> -> memref<1x1x2x125xi32, #tpu.memory_space<hbm>>
        %dma_start3A_133 = tpu.memref_squeeze %dma_start3A_132 : memref<1x1x2x125xi32, #tpu.memory_space<hbm>> -> memref<2x125xi32, #tpu.memory_space<hbm>>
        tpu.enqueue_dma source(%dma_start3A_133 : memref<2x125xi32, #tpu.memory_space<hbm>>) target(%arg9 : memref<2x125xi32, #tpu.memory_space<vmem>>) target_semaphore(%arg18 : memref<!tpu.dma_semaphore, #tpu.memory_space<semaphore_mem>>)
      } else {
      }
      %add3A_117 = arith.constant 2 : i32
      %add3A_118 = arith.addi %add3A_101, %add3A_117 : i32
      %lt3A_119 = arith.constant 80 : i32
      %lt3A_120 = arith.cmpi slt, %add3A_118, %lt3A_119 : i32
      %convert_element_type3A_121 = arith.extui %lt3A_120 : i1 to i32
      %cond3A_122 = arith.constant 0 : i32
      %cond3A_123 = arith.cmpi ne, %convert_element_type3A_121, %cond3A_122 : i32
      scf.if %cond3A_123 {
        %add3A_124 = arith.constant 2 : i32
        %add3A_125 = arith.addi %add3A_101, %add3A_124 : i32
        %ge3A = arith.constant 4 : i32
        %ge3A_126 = arith.cmpi sge, %add3A_125, %ge3A : i32
        %convert_element_type3A_127 = arith.extui %ge3A_126 : i1 to i32
        %cond3A_128 = arith.constant 0 : i32
        %cond3A_129 = arith.cmpi ne, %convert_element_type3A_127, %cond3A_128 : i32
        scf.if %cond3A_129 {
          %add3A_137 = arith.constant 2 : i32
          %add3A_138 = arith.addi %add3A_101, %add3A_137 : i32
          %dma_wait3A_139 = arith.constant 0 : i32
          %dma_wait3A_140 = arith.constant 0 : i32
          %dma_wait3A_141 = tpu.memref_slice %arg3[%add3A, %add3A_138, %dma_wait3A_139, %dma_wait3A_140] : memref<32x80x2x125xi32, #tpu.memory_space<hbm>> -> memref<1x1x2x125xi32, #tpu.memory_space<hbm>>
          %dma_wait3A_142 = tpu.memref_squeeze %dma_wait3A_141 : memref<1x1x2x125xi32, #tpu.memory_space<hbm>> -> memref<2x125xi32, #tpu.memory_space<hbm>>
          %dma_wait3A_143 = arith.constant 0 : i32
          %dma_wait3A_144 = arith.constant 0 : i32
          %dma_wait3A_145 = tpu.memref_slice %arg3[%add3A, %add3A_138, %dma_wait3A_143, %dma_wait3A_144] : memref<32x80x2x125xi32, #tpu.memory_space<hbm>> -> memref<1x1x2x125xi32, #tpu.memory_space<hbm>>
          %dma_wait3A_146 = tpu.memref_squeeze %dma_wait3A_145 : memref<1x1x2x125xi32, #tpu.memory_space<hbm>> -> memref<2x125xi32, #tpu.memory_space<hbm>>
          tpu.wait_dma2 semaphore(%arg16 : memref<!tpu.dma_semaphore, #tpu.memory_space<semaphore_mem>>) src(%dma_wait3A_146 : memref<2x125xi32, #tpu.memory_space<hbm>>) dst(%arg7 : memref<2x125xi32, #tpu.memory_space<vmem>>)
        } else {
        }
        %dma_start3A_130 = arith.constant 0 : i32
        %dma_start3A_131 = arith.constant 0 : i32
        %dma_start3A_132 = tpu.memref_slice %arg7[%dma_start3A_130, %dma_start3A_131] : memref<2x125xi32, #tpu.memory_space<vmem>> -> memref<1x125xi32, #tpu.memory_space<vmem>>
        %dma_start3A_133 = tpu.memref_squeeze %dma_start3A_132 : memref<1x125xi32, #tpu.memory_space<vmem>> -> memref<125xi32, #tpu.memory_space<vmem>>
        %dma_start3A_134 = arith.constant 0 : i32
        %dma_start3A_135 = arith.constant 0 : i32
        %dma_start3A_136 = tpu.memref_slice %arg2[%dma_start3A_134, %dma_start3A_135] : memref<20480x128xf32, #tpu.memory_space<hbm>> -> memref<20480x128xf32, #tpu.memory_space<hbm>>
        tpu.enqueue_indirect_dma source(%dma_start3A_136 : memref<20480x128xf32, #tpu.memory_space<hbm>>) target(%arg11 : memref<125x128xf32, #tpu.memory_space<vmem>>) offsets(%dma_start3A_133 : memref<125xi32, #tpu.memory_space<vmem>>) semaphore(%arg14 : memref<!tpu.dma_semaphore, #tpu.memory_space<semaphore_mem>>)
      } else {
      }
    }
    %scan3A_22 = arith.constant 20 : i32
    %barrier3A_23 = arith.constant 0 : index
    tpu.barrier barrier_id(%barrier3A_23)
    %mul3A_24 = arith.constant 10240 : i32
    %mul3A_25 = arith.muli %arg0, %mul3A_24 : i32
    %add3A_26 = arith.addi %mul3A_25, %mul3A_2 : i32
    "tpu.region"() ({
      %run_scoped3A_27 = tpu.sem_alloc : memref<!tpu.dma_semaphore, #tpu.memory_space<semaphore_mem>>
      %dma_start3A_28 = arith.constant 0 : i32
      %dma_start3A_29 = tpu.memref_slice %arg5[%add3A_26, %dma_start3A_28] : memref<20480x128xf32, #tpu.memory_space<hbm>> -> memref<640x128xf32, #tpu.memory_space<hbm>>
      %dma_start3A_30 = arith.constant 0 : i32
      %dma_start3A_31 = tpu.memref_slice %arg12[%mul3A_2, %dma_start3A_30] : memref<10240x128xf32, #tpu.memory_space<vmem_shared>> -> memref<640x128xf32, #tpu.memory_space<vmem_shared>>
      tpu.enqueue_dma source(%dma_start3A_31 : memref<640x128xf32, #tpu.memory_space<vmem_shared>>) target(%dma_start3A_29 : memref<640x128xf32, #tpu.memory_space<hbm>>) target_semaphore(%run_scoped3A_27 : memref<!tpu.dma_semaphore, #tpu.memory_space<semaphore_mem>>)
      %dma_wait3A = arith.constant 0 : i32
      %dma_wait3A_32 = tpu.memref_slice %arg5[%add3A_26, %dma_wait3A] : memref<20480x128xf32, #tpu.memory_space<hbm>> -> memref<640x128xf32, #tpu.memory_space<hbm>>
      %dma_wait3A_33 = arith.constant 0 : i32
      %dma_wait3A_34 = tpu.memref_slice %arg12[%mul3A_2, %dma_wait3A_33] : memref<10240x128xf32, #tpu.memory_space<vmem_shared>> -> memref<640x128xf32, #tpu.memory_space<vmem_shared>>
      tpu.wait_dma2 semaphore(%run_scoped3A_27 : memref<!tpu.dma_semaphore, #tpu.memory_space<semaphore_mem>>) src(%dma_wait3A_34 : memref<640x128xf32, #tpu.memory_space<vmem_shared>>) dst(%dma_wait3A_32 : memref<640x128xf32, #tpu.memory_space<hbm>>)
      tpu.yield
    }) : () -> ()
    return
  }
}

#map = affine_map<(d0, d1) -> (0, 0, 0)>
#map1 = affine_map<(d0, d1) -> (0, 0)>
module attributes {stable_mosaic.version = 14 : i64} {
  func.func @_sc_cnt_body(%arg0: i32, %arg1: i32, %arg2: memref<32x40x125xi32, #tpu.memory_space<hbm>>, %arg3: memref<10240x128xf32, #tpu.memory_space<hbm>>, %arg4: memref<125x128xf32, #tpu.memory_space<hbm>>, %arg5: memref<20480x128xf32, #tpu.memory_space<hbm>>, %arg6: memref<40x125xi32, #tpu.memory_space<vmem>>, %arg7: memref<125x128xf32, #tpu.memory_space<vmem>>, %arg8: memref<10240x128xf32, #tpu.memory_space<vmem_shared>>) attributes {dimension_semantics = [#tpu.dimension_semantics<core_parallel>, #tpu.dimension_semantics<subcore_parallel>], iteration_bounds = array<i64: 2, 16>, scalar_prefetch = 0 : i64, scratch_operands = 3 : i64, tpu.core_type = #tpu.core_type<sc_vector_subcore>, window_params = [{transform_indices = #map}, {transform_indices = #map1}, {transform_indices = #map1}, {transform_indices = #map1}]} {
    %mul3A = arith.constant 640 : i32
    %mul3A_0 = arith.muli %arg1, %mul3A : i32
    "tpu.region"() ({
      %run_scoped3A = tpu.sem_alloc : memref<!tpu.dma_semaphore, #tpu.memory_space<semaphore_mem>>
      tpu.enqueue_dma source(%arg4 : memref<125x128xf32, #tpu.memory_space<hbm>>) target(%arg7 : memref<125x128xf32, #tpu.memory_space<vmem>>) target_semaphore(%run_scoped3A : memref<!tpu.dma_semaphore, #tpu.memory_space<semaphore_mem>>)
      tpu.wait_dma2 semaphore(%run_scoped3A : memref<!tpu.dma_semaphore, #tpu.memory_space<semaphore_mem>>) src(%arg4 : memref<125x128xf32, #tpu.memory_space<hbm>>) dst(%arg7 : memref<125x128xf32, #tpu.memory_space<vmem>>)
      tpu.yield
    }) : () -> ()
    "tpu.region"() ({
      %run_scoped3A = tpu.sem_alloc : memref<!tpu.dma_semaphore, #tpu.memory_space<semaphore_mem>>
      %dma_start3A = arith.constant 0 : i32
      %dma_start3A_11 = tpu.memref_slice %arg8[%mul3A_0, %dma_start3A] : memref<10240x128xf32, #tpu.memory_space<vmem_shared>> -> memref<640x128xf32, #tpu.memory_space<vmem_shared>>
      %dma_start3A_12 = arith.constant 0 : i32
      %dma_start3A_13 = tpu.memref_slice %arg3[%mul3A_0, %dma_start3A_12] : memref<10240x128xf32, #tpu.memory_space<hbm>> -> memref<640x128xf32, #tpu.memory_space<hbm>>
      tpu.enqueue_dma source(%dma_start3A_13 : memref<640x128xf32, #tpu.memory_space<hbm>>) target(%dma_start3A_11 : memref<640x128xf32, #tpu.memory_space<vmem_shared>>) target_semaphore(%run_scoped3A : memref<!tpu.dma_semaphore, #tpu.memory_space<semaphore_mem>>)
      %dma_wait3A = arith.constant 0 : i32
      %dma_wait3A_14 = tpu.memref_slice %arg8[%mul3A_0, %dma_wait3A] : memref<10240x128xf32, #tpu.memory_space<vmem_shared>> -> memref<640x128xf32, #tpu.memory_space<vmem_shared>>
      %dma_wait3A_15 = arith.constant 0 : i32
      %dma_wait3A_16 = tpu.memref_slice %arg3[%mul3A_0, %dma_wait3A_15] : memref<10240x128xf32, #tpu.memory_space<hbm>> -> memref<640x128xf32, #tpu.memory_space<hbm>>
      tpu.wait_dma2 semaphore(%run_scoped3A : memref<!tpu.dma_semaphore, #tpu.memory_space<semaphore_mem>>) src(%dma_wait3A_16 : memref<640x128xf32, #tpu.memory_space<hbm>>) dst(%dma_wait3A_14 : memref<640x128xf32, #tpu.memory_space<vmem_shared>>)
      tpu.yield
    }) : () -> ()
    %mul3A_1 = arith.constant 16 : i32
    %mul3A_2 = arith.muli %arg0, %mul3A_1 : i32
    %add3A = arith.addi %mul3A_2, %arg1 : i32
    "tpu.region"() ({
      %run_scoped3A = tpu.sem_alloc : memref<!tpu.dma_semaphore, #tpu.memory_space<semaphore_mem>>
      %dma_start3A = arith.constant 0 : i32
      %dma_start3A_11 = arith.constant 0 : i32
      %dma_start3A_12 = tpu.memref_slice %arg2[%add3A, %dma_start3A, %dma_start3A_11] : memref<32x40x125xi32, #tpu.memory_space<hbm>> -> memref<1x40x125xi32, #tpu.memory_space<hbm>>
      %dma_start3A_13 = tpu.memref_squeeze %dma_start3A_12 : memref<1x40x125xi32, #tpu.memory_space<hbm>> -> memref<40x125xi32, #tpu.memory_space<hbm>>
      %dma_start3A_14 = arith.constant 0 : i32
      %dma_start3A_15 = arith.constant 0 : i32
      %dma_start3A_16 = tpu.memref_slice %arg2[%add3A, %dma_start3A_14, %dma_start3A_15] : memref<32x40x125xi32, #tpu.memory_space<hbm>> -> memref<1x40x125xi32, #tpu.memory_space<hbm>>
      %dma_start3A_17 = tpu.memref_squeeze %dma_start3A_16 : memref<1x40x125xi32, #tpu.memory_space<hbm>> -> memref<40x125xi32, #tpu.memory_space<hbm>>
      tpu.enqueue_dma source(%dma_start3A_17 : memref<40x125xi32, #tpu.memory_space<hbm>>) target(%arg6 : memref<40x125xi32, #tpu.memory_space<vmem>>) target_semaphore(%run_scoped3A : memref<!tpu.dma_semaphore, #tpu.memory_space<semaphore_mem>>)
      %dma_wait3A = arith.constant 0 : i32
      %dma_wait3A_18 = arith.constant 0 : i32
      %dma_wait3A_19 = tpu.memref_slice %arg2[%add3A, %dma_wait3A, %dma_wait3A_18] : memref<32x40x125xi32, #tpu.memory_space<hbm>> -> memref<1x40x125xi32, #tpu.memory_space<hbm>>
      %dma_wait3A_20 = tpu.memref_squeeze %dma_wait3A_19 : memref<1x40x125xi32, #tpu.memory_space<hbm>> -> memref<40x125xi32, #tpu.memory_space<hbm>>
      %dma_wait3A_21 = arith.constant 0 : i32
      %dma_wait3A_22 = arith.constant 0 : i32
      %dma_wait3A_23 = tpu.memref_slice %arg2[%add3A, %dma_wait3A_21, %dma_wait3A_22] : memref<32x40x125xi32, #tpu.memory_space<hbm>> -> memref<1x40x125xi32, #tpu.memory_space<hbm>>
      %dma_wait3A_24 = tpu.memref_squeeze %dma_wait3A_23 : memref<1x40x125xi32, #tpu.memory_space<hbm>> -> memref<40x125xi32, #tpu.memory_space<hbm>>
      tpu.wait_dma2 semaphore(%run_scoped3A : memref<!tpu.dma_semaphore, #tpu.memory_space<semaphore_mem>>) src(%dma_wait3A_24 : memref<40x125xi32, #tpu.memory_space<hbm>>) dst(%arg6 : memref<40x125xi32, #tpu.memory_space<vmem>>)
      tpu.yield
    }) : () -> ()
    %barrier3A = arith.constant 0 : index
    tpu.barrier barrier_id(%barrier3A)
    %scan3A = arith.constant 0 : i32
    %scan3A_3 = arith.constant 40 : i32
    %scan3A_4 = arith.addi %scan3A, %scan3A_3 : i32
    %scan3A_5 = arith.constant 1 : i32
    scf.for %scan3A_11 = %scan3A to %scan3A_4 step %scan3A_5  : i32 {
      %mul3A_12 = arith.constant 1 : i32
      %mul3A_13 = arith.muli %scan3A_11, %mul3A_12 : i32
      %add3A_14 = arith.constant 0 : i32
      %add3A_15 = arith.addi %add3A_14, %mul3A_13 : i32
      "tpu.region"() ({
        %run_scoped3A = tpu.sem_alloc : memref<!tpu.dma_semaphore, #tpu.memory_space<semaphore_mem>>
        %dma_start3A = arith.constant 0 : i32
        %dma_start3A_16 = tpu.memref_slice %arg6[%add3A_15, %dma_start3A] : memref<40x125xi32, #tpu.memory_space<vmem>> -> memref<1x125xi32, #tpu.memory_space<vmem>>
        %dma_start3A_17 = tpu.memref_squeeze %dma_start3A_16 : memref<1x125xi32, #tpu.memory_space<vmem>> -> memref<125xi32, #tpu.memory_space<vmem>>
        %dma_start3A_18 = arith.constant 0 : i32
        %dma_start3A_19 = arith.constant 0 : i32
        %dma_start3A_20 = tpu.memref_slice %arg8[%dma_start3A_18, %dma_start3A_19] : memref<10240x128xf32, #tpu.memory_space<vmem_shared>> -> memref<10240x128xf32, #tpu.memory_space<vmem_shared>>
        tpu.enqueue_indirect_dma source(%arg7 : memref<125x128xf32, #tpu.memory_space<vmem>>) target(%dma_start3A_20 : memref<10240x128xf32, #tpu.memory_space<vmem_shared>>) offsets(%dma_start3A_17 : memref<125xi32, #tpu.memory_space<vmem>>) semaphore(%run_scoped3A : memref<!tpu.dma_semaphore, #tpu.memory_space<semaphore_mem>>) {add = true}
        %dma_wait3A = arith.constant 0 : i32
        %dma_wait3A_21 = tpu.memref_slice %arg6[%add3A_15, %dma_wait3A] : memref<40x125xi32, #tpu.memory_space<vmem>> -> memref<1x125xi32, #tpu.memory_space<vmem>>
        %dma_wait3A_22 = tpu.memref_squeeze %dma_wait3A_21 : memref<1x125xi32, #tpu.memory_space<vmem>> -> memref<125xi32, #tpu.memory_space<vmem>>
        %dma_wait3A_23 = arith.constant 0 : i32
        %dma_wait3A_24 = arith.constant 0 : i32
        %dma_wait3A_25 = tpu.memref_slice %arg8[%dma_wait3A_23, %dma_wait3A_24] : memref<10240x128xf32, #tpu.memory_space<vmem_shared>> -> memref<10240x128xf32, #tpu.memory_space<vmem_shared>>
        tpu.wait_indirect_dma semaphore(%run_scoped3A : memref<!tpu.dma_semaphore, #tpu.memory_space<semaphore_mem>>) src(%arg7 : memref<125x128xf32, #tpu.memory_space<vmem>>) dst(%dma_wait3A_25 : memref<10240x128xf32, #tpu.memory_space<vmem_shared>>)
        tpu.yield
      }) : () -> ()
    }
    %scan3A_6 = arith.constant 40 : i32
    %barrier3A_7 = arith.constant 0 : index
    tpu.barrier barrier_id(%barrier3A_7)
    %mul3A_8 = arith.constant 10240 : i32
    %mul3A_9 = arith.muli %arg0, %mul3A_8 : i32
    %add3A_10 = arith.addi %mul3A_9, %mul3A_0 : i32
    "tpu.region"() ({
      %run_scoped3A = tpu.sem_alloc : memref<!tpu.dma_semaphore, #tpu.memory_space<semaphore_mem>>
      %dma_start3A = arith.constant 0 : i32
      %dma_start3A_11 = tpu.memref_slice %arg5[%add3A_10, %dma_start3A] : memref<20480x128xf32, #tpu.memory_space<hbm>> -> memref<640x128xf32, #tpu.memory_space<hbm>>
      %dma_start3A_12 = arith.constant 0 : i32
      %dma_start3A_13 = tpu.memref_slice %arg8[%mul3A_0, %dma_start3A_12] : memref<10240x128xf32, #tpu.memory_space<vmem_shared>> -> memref<640x128xf32, #tpu.memory_space<vmem_shared>>
      tpu.enqueue_dma source(%dma_start3A_13 : memref<640x128xf32, #tpu.memory_space<vmem_shared>>) target(%dma_start3A_11 : memref<640x128xf32, #tpu.memory_space<hbm>>) target_semaphore(%run_scoped3A : memref<!tpu.dma_semaphore, #tpu.memory_space<semaphore_mem>>)
      %dma_wait3A = arith.constant 0 : i32
      %dma_wait3A_14 = tpu.memref_slice %arg5[%add3A_10, %dma_wait3A] : memref<20480x128xf32, #tpu.memory_space<hbm>> -> memref<640x128xf32, #tpu.memory_space<hbm>>
      %dma_wait3A_15 = arith.constant 0 : i32
      %dma_wait3A_16 = tpu.memref_slice %arg8[%mul3A_0, %dma_wait3A_15] : memref<10240x128xf32, #tpu.memory_space<vmem_shared>> -> memref<640x128xf32, #tpu.memory_space<vmem_shared>>
      tpu.wait_dma2 semaphore(%run_scoped3A : memref<!tpu.dma_semaphore, #tpu.memory_space<semaphore_mem>>) src(%dma_wait3A_16 : memref<640x128xf32, #tpu.memory_space<vmem_shared>>) dst(%dma_wait3A_14 : memref<640x128xf32, #tpu.memory_space<hbm>>)
      tpu.yield
    }) : () -> ()
    return
  }
}

module attributes {stable_mosaic.version = 14 : i64} {
  func.func @_tc1_body(%arg0: i32, %arg1: i32, %arg2: memref<640x128xf32, #tpu.memory_space<vmem>>, %arg3: memref<640x128xf32, #tpu.memory_space<vmem>>, %arg4: memref<640x128xf32, #tpu.memory_space<vmem>>, %arg5: memref<640x128xf32, #tpu.memory_space<vmem>>, %arg6: memref<640x256xf32, #tpu.memory_space<vmem>>, %arg7: memref<256x128xf32, #tpu.memory_space<vmem>>, %arg8: memref<256x128xf32, #tpu.memory_space<vmem>>, %arg9: memref<128xf32, #tpu.memory_space<vmem>>, %arg10: memref<640x128xf32, #tpu.memory_space<vmem>>) attributes {dimension_semantics = [#tpu.dimension_semantics<arbitrary>, #tpu.dimension_semantics<arbitrary>], iteration_bounds = array<i64: 16, 2>, scalar_prefetch = 0 : i64, scratch_operands = 0 : i64, tpu.core_type = #tpu.core_type<tc>, window_params = [{transform_indices = @transform_0, window_bounds = array<i64: 640, 128>}, {transform_indices = @transform_1, window_bounds = array<i64: 640, 128>}, {transform_indices = @transform_2, window_bounds = array<i64: 640, 128>}, {transform_indices = @transform_3, window_bounds = array<i64: 640, 128>}, {transform_indices = @transform_4, window_bounds = array<i64: 640, 256>}, {transform_indices = @transform_5, window_bounds = array<i64: 256, 128>}, {transform_indices = @transform_6, window_bounds = array<i64: 256, 128>}, {transform_indices = @transform_7, window_bounds = array<i64: 128>}, {transform_indices = @transform_8, window_bounds = array<i64: 640, 128>}]} {
    %get3A = arith.constant 0 : index
    %get3A_0 = arith.constant 0 : index
    %get3A_1 = vector.load %arg4[%get3A, %get3A_0] : memref<640x128xf32, #tpu.memory_space<vmem>>, vector<640x1xf32>
    %get3A_2 = arith.constant 0 : index
    %get3A_3 = arith.constant 0 : index
    %get3A_4 = vector.load %arg5[%get3A_2, %get3A_3] : memref<640x128xf32, #tpu.memory_space<vmem>>, vector<640x1xf32>
    %add3A = arith.addf %get3A_1, %get3A_4 : vector<640x1xf32>
    %max3A = arith.constant 1.000000e+00 : f32
    %max3A_5 = vector.broadcast %max3A : f32 to vector<640x1xf32>
    %max3A_6 = arith.maximumf %add3A, %max3A_5 : vector<640x1xf32>
    %div3A = arith.constant 1.000000e+00 : f32
    %div3A_7 = vector.broadcast %div3A : f32 to vector<640x1xf32>
    %div3A_8 = arith.divf %div3A_7, %max3A_6 : vector<640x1xf32>
    %get3A_9 = arith.constant 0 : index
    %get3A_10 = arith.constant 0 : index
    %get3A_11 = vector.load %arg7[%get3A_9, %get3A_10] : memref<256x128xf32, #tpu.memory_space<vmem>>, vector<256x128xf32>
    %get3A_12 = arith.constant 0 : index
    %get3A_13 = arith.constant 0 : index
    %get3A_14 = vector.load %arg2[%get3A_12, %get3A_13] : memref<640x128xf32, #tpu.memory_space<vmem>>, vector<640x128xf32>
    %mul3A = vector.broadcast %div3A_8 : vector<640x1xf32> to vector<640x128xf32>
    %mul3A_15 = arith.mulf %get3A_14, %mul3A : vector<640x128xf32>
    %slice3A = vector.extract_strided_slice %get3A_11 {offsets = [0, 0], sizes = [128, 128], strides = [1, 1]} : vector<256x128xf32> to vector<128x128xf32>
    %dot_general3A = arith.constant dense<0.000000e+00> : vector<640x128xf32>
    %dot_general3A_16 = tpu.matmul %mul3A_15, %slice3A, %dot_general3A {dimension_numbers = #tpu.dot_dimension_numbers<[1], [0], [0], [1], [0, 0, 1, 1], [], []>, transpose_lhs_hint = false} : vector<640x128xf32>, vector<128x128xf32>, vector<640x128xf32> -> vector<640x128xf32>
    %get3A_17 = arith.constant 0 : index
    %get3A_18 = arith.constant 0 : index
    %get3A_19 = vector.load %arg3[%get3A_17, %get3A_18] : memref<640x128xf32, #tpu.memory_space<vmem>>, vector<640x128xf32>
    %mul3A_20 = vector.broadcast %div3A_8 : vector<640x1xf32> to vector<640x128xf32>
    %mul3A_21 = arith.mulf %get3A_19, %mul3A_20 : vector<640x128xf32>
    %slice3A_22 = vector.extract_strided_slice %get3A_11 {offsets = [128, 0], sizes = [128, 128], strides = [1, 1]} : vector<256x128xf32> to vector<128x128xf32>
    %dot_general3A_23 = arith.constant dense<0.000000e+00> : vector<640x128xf32>
    %dot_general3A_24 = tpu.matmul %mul3A_21, %slice3A_22, %dot_general3A_23 {dimension_numbers = #tpu.dot_dimension_numbers<[1], [0], [0], [1], [0, 0, 1, 1], [], []>, transpose_lhs_hint = false} : vector<640x128xf32>, vector<128x128xf32>, vector<640x128xf32> -> vector<640x128xf32>
    %add3A_25 = arith.addf %dot_general3A_16, %dot_general3A_24 : vector<640x128xf32>
    %get3A_26 = arith.constant 0 : index
    %get3A_27 = arith.constant 0 : index
    %get3A_28 = vector.load %arg6[%get3A_26, %get3A_27] : memref<640x256xf32, #tpu.memory_space<vmem>>, vector<640x256xf32>
    %get3A_29 = arith.constant 0 : index
    %get3A_30 = arith.constant 0 : index
    %get3A_31 = vector.load %arg8[%get3A_29, %get3A_30] : memref<256x128xf32, #tpu.memory_space<vmem>>, vector<256x128xf32>
    %dot_general3A_32 = arith.constant dense<0.000000e+00> : vector<640x128xf32>
    %dot_general3A_33 = tpu.matmul %get3A_28, %get3A_31, %dot_general3A_32 {dimension_numbers = #tpu.dot_dimension_numbers<[1], [0], [0], [1], [0, 0, 1, 1], [], []>, transpose_lhs_hint = false} : vector<640x256xf32>, vector<256x128xf32>, vector<640x128xf32> -> vector<640x128xf32>
    %add3A_34 = arith.addf %add3A_25, %dot_general3A_33 : vector<640x128xf32>
    %get3A_35 = arith.constant 0 : index
    %get3A_36 = vector.load %arg9[%get3A_35] : memref<128xf32, #tpu.memory_space<vmem>>, vector<128xf32>
    %broadcast_in_dim3A = vector.shape_cast %get3A_36 : vector<128xf32> to vector<1x128xf32>
    %add3A_37 = vector.broadcast %broadcast_in_dim3A : vector<1x128xf32> to vector<640x128xf32>
    %add3A_38 = arith.addf %add3A_34, %add3A_37 : vector<640x128xf32>
    %max3A_39 = arith.constant 0.000000e+00 : f32
    %max3A_40 = vector.broadcast %max3A_39 : f32 to vector<640x128xf32>
    %max3A_41 = arith.maximumf %add3A_38, %max3A_40 : vector<640x128xf32>
    %swap3A = arith.constant 0 : index
    %swap3A_42 = arith.constant 0 : index
    %swap3A_43 = vector.load %arg10[%swap3A, %swap3A_42] : memref<640x128xf32, #tpu.memory_space<vmem>>, vector<640x128xf32>
    tpu.vector_store %arg10[%swap3A, %swap3A_42], %max3A_41 {strides = array<i32>} : memref<640x128xf32, #tpu.memory_space<vmem>>, vector<640x128xf32>,
    return
  }
  func.func @transform_0(%arg0: i32, %arg1: i32) -> (i32, i32) {
    %c0_i32 = arith.constant 0 : i32
    %c0_i32_0 = arith.constant 0 : i32
    return %arg0, %c0_i32 : i32, i32
  }
  func.func @transform_1(%arg0: i32, %arg1: i32) -> (i32, i32) {
    %add3A = arith.constant 16 : i32
    %add3A_0 = arith.addi %arg0, %add3A : i32
    %c0_i32 = arith.constant 0 : i32
    %c0_i32_1 = arith.constant 0 : i32
    return %add3A_0, %c0_i32 : i32, i32
  }
  func.func @transform_2(%arg0: i32, %arg1: i32) -> (i32, i32) {
    %c0_i32 = arith.constant 0 : i32
    %c0_i32_0 = arith.constant 0 : i32
    return %arg0, %c0_i32 : i32, i32
  }
  func.func @transform_3(%arg0: i32, %arg1: i32) -> (i32, i32) {
    %add3A = arith.constant 16 : i32
    %add3A_0 = arith.addi %arg0, %add3A : i32
    %c0_i32 = arith.constant 0 : i32
    %c0_i32_1 = arith.constant 0 : i32
    return %add3A_0, %c0_i32 : i32, i32
  }
  func.func @transform_4(%arg0: i32, %arg1: i32) -> (i32, i32) {
    %c0_i32 = arith.constant 0 : i32
    %c0_i32_0 = arith.constant 0 : i32
    return %arg0, %c0_i32 : i32, i32
  }
  func.func @transform_5(%arg0: i32, %arg1: i32) -> (i32, i32) {
    %c0_i32 = arith.constant 0 : i32
    %c0_i32_0 = arith.constant 0 : i32
    return %c0_i32, %arg1 : i32, i32
  }
  func.func @transform_6(%arg0: i32, %arg1: i32) -> (i32, i32) {
    %c0_i32 = arith.constant 0 : i32
    %c0_i32_0 = arith.constant 0 : i32
    return %c0_i32, %arg1 : i32, i32
  }
  func.func @transform_7(%arg0: i32, %arg1: i32) -> i32 {
    %c0_i32 = arith.constant 0 : i32
    return %arg1 : i32
  }
  func.func @transform_8(%arg0: i32, %arg1: i32) -> (i32, i32) {
    %mul3A = arith.constant 16 : i32
    %mul3A_0 = arith.muli %arg1, %mul3A : i32
    %add3A = arith.addi %mul3A_0, %arg0 : i32
    %c0_i32 = arith.constant 0 : i32
    %c0_i32_1 = arith.constant 0 : i32
    return %add3A, %c0_i32 : i32, i32
  }
}

module attributes {stable_mosaic.version = 14 : i64} {
  func.func @_tc2_body(%arg0: i32, %arg1: memref<640x128xf32, #tpu.memory_space<vmem>>, %arg2: memref<640x128xf32, #tpu.memory_space<vmem>>, %arg3: memref<640x128xf32, #tpu.memory_space<vmem>>, %arg4: memref<640x128xf32, #tpu.memory_space<vmem>>, %arg5: memref<640x128xf32, #tpu.memory_space<vmem>>, %arg6: memref<640x128xf32, #tpu.memory_space<vmem>>, %arg7: memref<256x256xf32, #tpu.memory_space<vmem>>, %arg8: memref<256x256xf32, #tpu.memory_space<vmem>>, %arg9: memref<256xf32, #tpu.memory_space<vmem>>, %arg10: memref<256x128xf32, #tpu.memory_space<vmem>>, %arg11: memref<128xf32, #tpu.memory_space<vmem>>, %arg12: memref<128x64xf32, #tpu.memory_space<vmem>>, %arg13: memref<64xf32, #tpu.memory_space<vmem>>, %arg14: memref<640x64xf32, #tpu.memory_space<vmem>>) attributes {dimension_semantics = [#tpu.dimension_semantics<arbitrary>], iteration_bounds = array<i64: 16>, scalar_prefetch = 0 : i64, scratch_operands = 0 : i64, tpu.core_type = #tpu.core_type<tc>, window_params = [{transform_indices = @transform_0, window_bounds = array<i64: 640, 128>}, {transform_indices = @transform_1, window_bounds = array<i64: 640, 128>}, {transform_indices = @transform_2, window_bounds = array<i64: 640, 128>}, {transform_indices = @transform_3, window_bounds = array<i64: 640, 128>}, {transform_indices = @transform_4, window_bounds = array<i64: 640, 128>}, {transform_indices = @transform_5, window_bounds = array<i64: 640, 128>}, {pipeline_mode = #tpu.pipeline_mode<synchronous>, transform_indices = @transform_6, window_bounds = array<i64: 256, 256>}, {pipeline_mode = #tpu.pipeline_mode<synchronous>, transform_indices = @transform_7, window_bounds = array<i64: 256, 256>}, {pipeline_mode = #tpu.pipeline_mode<synchronous>, transform_indices = @transform_8, window_bounds = array<i64: 256>}, {pipeline_mode = #tpu.pipeline_mode<synchronous>, transform_indices = @transform_9, window_bounds = array<i64: 256, 128>}, {pipeline_mode = #tpu.pipeline_mode<synchronous>, transform_indices = @transform_10, window_bounds = array<i64: 128>}, {pipeline_mode = #tpu.pipeline_mode<synchronous>, transform_indices = @transform_11, window_bounds = array<i64: 128, 64>}, {pipeline_mode = #tpu.pipeline_mode<synchronous>, transform_indices = @transform_12, window_bounds = array<i64: 64>}, {transform_indices = @transform_13, window_bounds = array<i64: 640, 64>}]} {
    %get3A = arith.constant 0 : index
    %get3A_0 = arith.constant 0 : index
    %get3A_1 = vector.load %arg3[%get3A, %get3A_0] : memref<640x128xf32, #tpu.memory_space<vmem>>, vector<640x1xf32>
    %get3A_2 = arith.constant 0 : index
    %get3A_3 = arith.constant 0 : index
    %get3A_4 = vector.load %arg4[%get3A_2, %get3A_3] : memref<640x128xf32, #tpu.memory_space<vmem>>, vector<640x1xf32>
    %add3A = arith.addf %get3A_1, %get3A_4 : vector<640x1xf32>
    %max3A = arith.constant 1.000000e+00 : f32
    %max3A_5 = vector.broadcast %max3A : f32 to vector<640x1xf32>
    %max3A_6 = arith.maximumf %add3A, %max3A_5 : vector<640x1xf32>
    %div3A = arith.constant 1.000000e+00 : f32
    %div3A_7 = vector.broadcast %div3A : f32 to vector<640x1xf32>
    %div3A_8 = arith.divf %div3A_7, %max3A_6 : vector<640x1xf32>
    %get3A_9 = arith.constant 0 : index
    %get3A_10 = arith.constant 0 : index
    %get3A_11 = vector.load %arg7[%get3A_9, %get3A_10] : memref<256x256xf32, #tpu.memory_space<vmem>>, vector<256x256xf32>
    %get3A_12 = arith.constant 0 : index
    %get3A_13 = arith.constant 0 : index
    %get3A_14 = vector.load %arg8[%get3A_12, %get3A_13] : memref<256x256xf32, #tpu.memory_space<vmem>>, vector<256x256xf32>
    %get3A_15 = arith.constant 0 : index
    %get3A_16 = arith.constant 0 : index
    %get3A_17 = vector.load %arg1[%get3A_15, %get3A_16] : memref<640x128xf32, #tpu.memory_space<vmem>>, vector<640x128xf32>
    %mul3A = vector.broadcast %div3A_8 : vector<640x1xf32> to vector<640x128xf32>
    %mul3A_18 = arith.mulf %get3A_17, %mul3A : vector<640x128xf32>
    %slice3A = vector.extract_strided_slice %get3A_11 {offsets = [0, 0], sizes = [128, 256], strides = [1, 1]} : vector<256x256xf32> to vector<128x256xf32>
    %dot_general3A = arith.constant dense<0.000000e+00> : vector<640x256xf32>
    %dot_general3A_19 = tpu.matmul %mul3A_18, %slice3A, %dot_general3A {dimension_numbers = #tpu.dot_dimension_numbers<[1], [0], [0], [1], [0, 0, 1, 1], [], []>, transpose_lhs_hint = false} : vector<640x128xf32>, vector<128x256xf32>, vector<640x256xf32> -> vector<640x256xf32>
    %get3A_20 = arith.constant 0 : index
    %get3A_21 = arith.constant 0 : index
    %get3A_22 = vector.load %arg2[%get3A_20, %get3A_21] : memref<640x128xf32, #tpu.memory_space<vmem>>, vector<640x128xf32>
    %mul3A_23 = vector.broadcast %div3A_8 : vector<640x1xf32> to vector<640x128xf32>
    %mul3A_24 = arith.mulf %get3A_22, %mul3A_23 : vector<640x128xf32>
    %slice3A_25 = vector.extract_strided_slice %get3A_11 {offsets = [128, 0], sizes = [128, 256], strides = [1, 1]} : vector<256x256xf32> to vector<128x256xf32>
    %dot_general3A_26 = arith.constant dense<0.000000e+00> : vector<640x256xf32>
    %dot_general3A_27 = tpu.matmul %mul3A_24, %slice3A_25, %dot_general3A_26 {dimension_numbers = #tpu.dot_dimension_numbers<[1], [0], [0], [1], [0, 0, 1, 1], [], []>, transpose_lhs_hint = false} : vector<640x128xf32>, vector<128x256xf32>, vector<640x256xf32> -> vector<640x256xf32>
    %add3A_28 = arith.addf %dot_general3A_19, %dot_general3A_27 : vector<640x256xf32>
    %get3A_29 = arith.constant 0 : index
    %get3A_30 = arith.constant 0 : index
    %get3A_31 = vector.load %arg5[%get3A_29, %get3A_30] : memref<640x128xf32, #tpu.memory_space<vmem>>, vector<640x128xf32>
    %slice3A_32 = vector.extract_strided_slice %get3A_14 {offsets = [0, 0], sizes = [128, 256], strides = [1, 1]} : vector<256x256xf32> to vector<128x256xf32>
    %dot_general3A_33 = arith.constant dense<0.000000e+00> : vector<640x256xf32>
    %dot_general3A_34 = tpu.matmul %get3A_31, %slice3A_32, %dot_general3A_33 {dimension_numbers = #tpu.dot_dimension_numbers<[1], [0], [0], [1], [0, 0, 1, 1], [], []>, transpose_lhs_hint = false} : vector<640x128xf32>, vector<128x256xf32>, vector<640x256xf32> -> vector<640x256xf32>
    %add3A_35 = arith.addf %add3A_28, %dot_general3A_34 : vector<640x256xf32>
    %get3A_36 = arith.constant 0 : index
    %get3A_37 = arith.constant 0 : index
    %get3A_38 = vector.load %arg6[%get3A_36, %get3A_37] : memref<640x128xf32, #tpu.memory_space<vmem>>, vector<640x128xf32>
    %slice3A_39 = vector.extract_strided_slice %get3A_14 {offsets = [128, 0], sizes = [128, 256], strides = [1, 1]} : vector<256x256xf32> to vector<128x256xf32>
    %dot_general3A_40 = arith.constant dense<0.000000e+00> : vector<640x256xf32>
    %dot_general3A_41 = tpu.matmul %get3A_38, %slice3A_39, %dot_general3A_40 {dimension_numbers = #tpu.dot_dimension_numbers<[1], [0], [0], [1], [0, 0, 1, 1], [], []>, transpose_lhs_hint = false} : vector<640x128xf32>, vector<128x256xf32>, vector<640x256xf32> -> vector<640x256xf32>
    %add3A_42 = arith.addf %add3A_35, %dot_general3A_41 : vector<640x256xf32>
    %get3A_43 = arith.constant 0 : index
    %get3A_44 = vector.load %arg9[%get3A_43] : memref<256xf32, #tpu.memory_space<vmem>>, vector<256xf32>
    %broadcast_in_dim3A = vector.shape_cast %get3A_44 : vector<256xf32> to vector<1x256xf32>
    %add3A_45 = vector.broadcast %broadcast_in_dim3A : vector<1x256xf32> to vector<640x256xf32>
    %add3A_46 = arith.addf %add3A_42, %add3A_45 : vector<640x256xf32>
    %get3A_47 = arith.constant 0 : index
    %get3A_48 = arith.constant 0 : index
    %get3A_49 = vector.load %arg10[%get3A_47, %get3A_48] : memref<256x128xf32, #tpu.memory_space<vmem>>, vector<256x128xf32>
    %dot_general3A_50 = arith.constant dense<0.000000e+00> : vector<640x128xf32>
    %dot_general3A_51 = tpu.matmul %add3A_46, %get3A_49, %dot_general3A_50 {dimension_numbers = #tpu.dot_dimension_numbers<[1], [0], [0], [1], [0, 0, 1, 1], [], []>, transpose_lhs_hint = false} : vector<640x256xf32>, vector<256x128xf32>, vector<640x128xf32> -> vector<640x128xf32>
    %get3A_52 = arith.constant 0 : index
    %get3A_53 = vector.load %arg11[%get3A_52] : memref<128xf32, #tpu.memory_space<vmem>>, vector<128xf32>
    %broadcast_in_dim3A_54 = vector.shape_cast %get3A_53 : vector<128xf32> to vector<1x128xf32>
    %add3A_55 = vector.broadcast %broadcast_in_dim3A_54 : vector<1x128xf32> to vector<640x128xf32>
    %add3A_56 = arith.addf %dot_general3A_51, %add3A_55 : vector<640x128xf32>
    %max3A_57 = arith.constant 0.000000e+00 : f32
    %max3A_58 = vector.broadcast %max3A_57 : f32 to vector<640x128xf32>
    %max3A_59 = arith.maximumf %add3A_56, %max3A_58 : vector<640x128xf32>
    %get3A_60 = arith.constant 0 : index
    %get3A_61 = arith.constant 0 : index
    %get3A_62 = vector.load %arg12[%get3A_60, %get3A_61] : memref<128x64xf32, #tpu.memory_space<vmem>>, vector<128x64xf32>
    %dot_general3A_63 = arith.constant dense<0.000000e+00> : vector<640x64xf32>
    %dot_general3A_64 = tpu.matmul %max3A_59, %get3A_62, %dot_general3A_63 {dimension_numbers = #tpu.dot_dimension_numbers<[1], [0], [0], [1], [0, 0, 1, 1], [], []>, transpose_lhs_hint = false} : vector<640x128xf32>, vector<128x64xf32>, vector<640x64xf32> -> vector<640x64xf32>
    %get3A_65 = arith.constant 0 : index
    %get3A_66 = vector.load %arg13[%get3A_65] : memref<64xf32, #tpu.memory_space<vmem>>, vector<64xf32>
    %broadcast_in_dim3A_67 = vector.shape_cast %get3A_66 : vector<64xf32> to vector<1x64xf32>
    %add3A_68 = vector.broadcast %broadcast_in_dim3A_67 : vector<1x64xf32> to vector<640x64xf32>
    %add3A_69 = arith.addf %dot_general3A_64, %add3A_68 : vector<640x64xf32>
    %reduce_max3A = arith.constant dense<0xFF800000> : vector<640xf32>
    %reduce_max3A_70 = vector.multi_reduction <maximumf>, %add3A_69, %reduce_max3A [1] : vector<640x64xf32> to vector<640xf32>
    %broadcast_in_dim3A_71 = vector.shape_cast %reduce_max3A_70 : vector<640xf32> to vector<640x1xf32>
    %sub3A = vector.broadcast %broadcast_in_dim3A_71 : vector<640x1xf32> to vector<640x64xf32>
    %sub3A_72 = arith.subf %add3A_69, %sub3A : vector<640x64xf32>
    %exp3A = math.exp %sub3A_72 : vector<640x64xf32>
    %reduce_sum3A = arith.constant dense<0.000000e+00> : vector<640xf32>
    %reduce_sum3A_73 = vector.multi_reduction <add>, %exp3A, %reduce_sum3A [1] : vector<640x64xf32> to vector<640xf32>
    %broadcast_in_dim3A_74 = vector.shape_cast %reduce_sum3A_73 : vector<640xf32> to vector<640x1xf32>
    %div3A_75 = vector.broadcast %broadcast_in_dim3A_74 : vector<640x1xf32> to vector<640x64xf32>
    %div3A_76 = arith.divf %exp3A, %div3A_75 : vector<640x64xf32>
    %swap3A = arith.constant 0 : index
    %swap3A_77 = arith.constant 0 : index
    %swap3A_78 = vector.load %arg14[%swap3A, %swap3A_77] : memref<640x64xf32, #tpu.memory_space<vmem>>, vector<640x64xf32>
    tpu.vector_store %arg14[%swap3A, %swap3A_77], %div3A_76 {strides = array<i32>} : memref<640x64xf32, #tpu.memory_space<vmem>>, vector<640x64xf32>,
    return
  }
  func.func @transform_0(%arg0: i32) -> (i32, i32) {
    %c0_i32 = arith.constant 0 : i32
    %c0_i32_0 = arith.constant 0 : i32
    return %arg0, %c0_i32 : i32, i32
  }
  func.func @transform_1(%arg0: i32) -> (i32, i32) {
    %add3A = arith.constant 16 : i32
    %add3A_0 = arith.addi %arg0, %add3A : i32
    %c0_i32 = arith.constant 0 : i32
    %c0_i32_1 = arith.constant 0 : i32
    return %add3A_0, %c0_i32 : i32, i32
  }
  func.func @transform_2(%arg0: i32) -> (i32, i32) {
    %c0_i32 = arith.constant 0 : i32
    %c0_i32_0 = arith.constant 0 : i32
    return %arg0, %c0_i32 : i32, i32
  }
  func.func @transform_3(%arg0: i32) -> (i32, i32) {
    %add3A = arith.constant 16 : i32
    %add3A_0 = arith.addi %arg0, %add3A : i32
    %c0_i32 = arith.constant 0 : i32
    %c0_i32_1 = arith.constant 0 : i32
    return %add3A_0, %c0_i32 : i32, i32
  }
  func.func @transform_4(%arg0: i32) -> (i32, i32) {
    %c0_i32 = arith.constant 0 : i32
    %c0_i32_0 = arith.constant 0 : i32
    return %arg0, %c0_i32 : i32, i32
  }
  func.func @transform_5(%arg0: i32) -> (i32, i32) {
    %add3A = arith.constant 16 : i32
    %add3A_0 = arith.addi %arg0, %add3A : i32
    %c0_i32 = arith.constant 0 : i32
    %c0_i32_1 = arith.constant 0 : i32
    return %add3A_0, %c0_i32 : i32, i32
  }
  func.func @transform_6(%arg0: i32) -> (i32, i32) {
    %c0_i32 = arith.constant 0 : i32
    %c0_i32_0 = arith.constant 0 : i32
    %c0_i32_1 = arith.constant 0 : i32
    return %c0_i32, %c0_i32_0 : i32, i32
  }
  func.func @transform_7(%arg0: i32) -> (i32, i32) {
    %c0_i32 = arith.constant 0 : i32
    %c0_i32_0 = arith.constant 0 : i32
    %c0_i32_1 = arith.constant 0 : i32
    return %c0_i32, %c0_i32_0 : i32, i32
  }
  func.func @transform_8(%arg0: i32) -> i32 {
    %c0_i32 = arith.constant 0 : i32
    %c0_i32_0 = arith.constant 0 : i32
    return %c0_i32 : i32
  }
  func.func @transform_9(%arg0: i32) -> (i32, i32) {
    %c0_i32 = arith.constant 0 : i32
    %c0_i32_0 = arith.constant 0 : i32
    %c0_i32_1 = arith.constant 0 : i32
    return %c0_i32, %c0_i32_0 : i32, i32
  }
  func.func @transform_10(%arg0: i32) -> i32 {
    %c0_i32 = arith.constant 0 : i32
    %c0_i32_0 = arith.constant 0 : i32
    return %c0_i32 : i32
  }
  func.func @transform_11(%arg0: i32) -> (i32, i32) {
    %c0_i32 = arith.constant 0 : i32
    %c0_i32_0 = arith.constant 0 : i32
    %c0_i32_1 = arith.constant 0 : i32
    return %c0_i32, %c0_i32_0 : i32, i32
  }
  func.func @transform_12(%arg0: i32) -> i32 {
    %c0_i32 = arith.constant 0 : i32
    %c0_i32_0 = arith.constant 0 : i32
    return %c0_i32 : i32
  }
  func.func @transform_13(%arg0: i32) -> (i32, i32) {
    %c0_i32 = arith.constant 0 : i32
    %c0_i32_0 = arith.constant 0 : i32
    return %arg0, %c0_i32 : i32, i32
  }
}

</mosaic_0001>

<sc_bundles>
// kernel: kernel.10.cloned.1.call-start
scs
__scs_entry_jumppad:
0x0: {  	(pc) =	sbr.rel $0x88, $3  }
0x1: {  	(tag) =	ssettag $0x0;
	lr =	simm.s32 $0x1  }
0x2: {  	[smem:$0x3F95] =	sst lr;
	_ =	strace $0xD0000000  }
0x3: {  	_ = 	snop  }
0x4: {  	_ = 	snop  }
0x5: {  	_ = 	snop  }
0x6: {  	_ = 	snop  }
0x7: {  	_ = 	snop  }
__scs_overlays_trampoline_lowered:
0x8: {  	[smem:$0x3FA4] =	sst s0  }
0x9: {  	[smem:$0x3FA5] =	sst s1  }
0xa: {  	[smem:$0x3FA6] =	sst s2  }
0xb: {  	[smem:$0x3FA7] =	sst s3  }
0xc: {  	[smem:$0x3FA8] =	sst s4  }
0xd: {  	[smem:$0x3FA9] =	sst s5  }
0xe: {  	[smem:$0x3FAA] =	sst s6  }
0xf: {  	[smem:$0x3FAB] =	sst s7  }
0x10: {  	[smem:$0x3FAC] =	sst s8  }
0x11: {  	[smem:$0x3FAD] =	sst s9;
	s0 =	simm.s32 @!p0 $0x0  }
0x12: {  	s1 =	sld [smem:$0x3F93];
	s0 =	simm.s32 @p0 $0x1  }
0x13: {  	[smem:$0x3FAE] =	sst s0;
	s0 =	simm.s32 @!p1 $0x0  }
0x14: {  	s2 =	sld [smem:$0x3F92];
	s0 =	simm.s32 @p1 $0x1  }
0x15: {  	[smem:$0x3FAF] =	sst s0;
	s0 =	simm.s32 @!p2 $0x0  }
0x16: {  	s3 =	sld [smem:$0x3FDB];
	s0 =	simm.s32 @p2 $0x1  }
0x17: {  	s4 =	simm.s32 $0x1BF5;
	[smem:$0x3FB1] =	sst s0  }
0x18: {  	s0 =	sld [smem:$0x3F94];
	_ =	swait.ge [sflag:s4], $0x0  }
0x19: {  	s7 =	sld [smem:$0x3F95]  }
0x1a: {  	s8 =	sadd.s32 $0xFFFFE003, lr  }
0x1b: {  	s9 =	sadd.s32 $0xFFFFFEF7, lr;
	s5 =	simm.s32 $0xFFFFFFFF;
	p2 =	slt.u32 s8, $0xFFFFF086  }
0x1c: {  	p1 =	slt.u32 s9, $0xF7A;
	s5 =	simm.s32 @!p2 $0x0  }
0x1d: {  	s5 =	simm.s32 @p1 $0x1;
	p0 =	seq.s32 s7, s2  }
0x1e: {  	s7 =	smul.u32 @!p0 $0xF7A, s2;
	p2 =	seq.s32 @!p0 s5, $0x0  }
0x1f: {  	s9 =	smul.u32 $0xF7A, s1;
	s8 =	simm.s32 @!p0 $0x1BF5;
	p2 =	por !p2, p0  }
0x20: {  	[sflag:s8] =	ssyncset.s32 @!p0 $0xFFFFF086;
	s6 =	sadd.s32 @!p0 s3, s7;
	s7 =	simm.s32 @!p0 $0x108  }
0x21: {  	s3 =	sadd.s32 s3, s9;
	s6 =	sadd.s32 @!p0 $0x88, s6;
	s7 =	simm.s32 @p2 $0x1082  }
0x22: {  	[simem:s7], [sflag:s8] =	dma.local @!p0 [hbm:s6], $0xF7A  }
0x23: {  	s9 =	sor.u32 $0xD0000000, s2;
	s6 =	simm.s32 $0x108;
	_ =	swait.ge @!p0 [sflag:s8], $0x0  }
0x24: {  	s3 =	sadd.s32 $0x88, s3;
	s6 =	simm.s32 @!p1 $0x1082;
	[sflag:s4] =	ssyncset.s32 $0xFFFFF086  }
0x25: {  	[simem:s6], [sflag:s4] =	dma.local [hbm:s3], $0xF7A  }
0x26: {  	[smem:$0x3F95] =	sst s1;
	(tag) =	ssettag s2;
	_ =	strace s9  }
0x27: {  	s1 =	sld [smem:$0x3FA5]  }
0x28: {  	s2 =	sld [smem:$0x3FA6]  }
0x29: {  	s4 =	sld [smem:$0x3FA8]  }
0x2a: {  	p0 =	seq.s32 s5, $0x0;
	s5 =	sld [smem:$0x3FA9]  }
0x2b: {  	s6 =	sld [smem:$0x3FAA]  }
0x2c: {  	s7 =	sld [smem:$0x3FAB]  }
0x2d: {  	s3 =	simm.s32 $0x108;
	s8 =	sld [smem:$0x3FAC]  }
0x2e: {  	s3 =	simm.s32 @!p0 $0x1082;
	s9 =	sld [smem:$0x3FAD]  }
0x2f: {  	lr =	sadd.s32 s0, s3;
	s0 =	sld [smem:$0x3FA4]  }
0x30: {  	s3 =	sld [smem:$0x3FA7]  }
0x31: {  	[smem:$0x3FB0] =	sst s10  }
0x32: {  	s10 =	sld [smem:$0x3FAE];
	_ =	sdelay $0x3  }
0x33: {  	p0 =	seq.s32 s10, $0x1;
	s10 =	sld [smem:$0x3FB0];
	_ =	sdelay $0x3  }
0x34: {  	[smem:$0x3FB0] =	sst s10  }
0x35: {  	s10 =	sld [smem:$0x3FAF];
	_ =	sdelay $0x3  }
0x36: {  	p1 =	seq.s32 s10, $0x1;
	s10 =	sld [smem:$0x3FB0];
	_ =	sdelay $0x3  }
0x37: {  	[smem:$0x3FB0] =	sst s10  }
0x38: {  	s10 =	sld [smem:$0x3FB1]  }
0x39: {  	_ = 	snop;
	(pc) =	sbr.ind lr, $3  }
0x3a: {  	_ = 	snop  }
0x3b: {  	_ = 	snop  }
0x3c: {  	p2 =	seq.s32 s10, $0x1;
	s10 =	sld [smem:$0x3FB0]  }
0x3d: {  	_ =	shalt  }
0x3e: {  	_ =	shalt  }
0x3f: {  	_ =	shalt  }
0x40: {  	_ =	shalt  }
0x41: {  	_ =	shalt  }
0x42: {  	_ =	shalt  }
0x43: {  	_ =	shalt  }
0x44: {  	_ =	shalt  }
0x45: {  	_ =	shalt  }
0x46: {  	_ =	shalt  }
0x47: {  	_ =	shalt  }
0x48: {  	_ =	shalt  }
0x49: {  	_ =	shalt  }
0x4a: {  	_ =	shalt  }
0x4b: {  	_ =	shalt  }
0x4c: {  	_ =	shalt  }
0x4d: {  	_ =	shalt  }
0x4e: {  	_ =	shalt  }
0x4f: {  	_ =	shalt  }
0x50: {  	_ =	shalt  }
0x51: {  	_ =	shalt  }
0x52: {  	_ =	shalt  }
0x53: {  	_ =	shalt  }
0x54: {  	_ =	shalt  }
0x55: {  	_ =	shalt  }
0x56: {  	_ =	shalt  }
0x57: {  	_ =	shalt  }
0x58: {  	_ =	shalt  }
0x59: {  	_ =	shalt  }
0x5a: {  	_ =	shalt  }
0x5b: {  	_ =	shalt  }
0x5c: {  	_ =	shalt  }
0x5d: {  	_ =	shalt  }
0x5e: {  	_ =	shalt  }
0x5f: {  	_ =	shalt  }
0x60: {  	_ =	shalt  }
0x61: {  	_ =	shalt  }
0x62: {  	_ =	shalt  }
0x63: {  	_ =	shalt  }
0x64: {  	_ =	shalt  }
0x65: {  	_ =	shalt  }
0x66: {  	_ =	shalt  }
0x67: {  	_ =	shalt  }
0x68: {  	_ =	shalt  }
0x69: {  	_ =	shalt  }
0x6a: {  	_ =	shalt  }
0x6b: {  	_ =	shalt  }
0x6c: {  	_ =	shalt  }
0x6d: {  	_ =	shalt  }
0x6e: {  	_ =	shalt  }
0x6f: {  	_ =	shalt  }
0x70: {  	_ =	shalt  }
0x71: {  	_ =	shalt  }
0x72: {  	_ =	shalt  }
0x73: {  	_ =	shalt  }
0x74: {  	_ =	shalt  }
0x75: {  	_ =	shalt  }
0x76: {  	_ =	shalt  }
0x77: {  	_ =	shalt  }
0x78: {  	_ =	shalt  }
0x79: {  	_ =	shalt  }
0x7a: {  	_ =	shalt  }
0x7b: {  	_ =	shalt  }
0x7c: {  	_ =	shalt  }
0x7d: {  	_ =	shalt  }
0x7e: {  	_ =	shalt  }
0x7f: {  	_ =	shalt  }
0x80: {  	_ =	shalt  }
0x81: {  	_ =	shalt  }
0x82: {  	_ =	shalt  }
0x83: {  	_ =	shalt  }
0x84: {  	_ =	shalt  }
0x85: {  	_ =	shalt  }
0x86: {  	_ =	shalt  }
0x87: {  	_ =	shalt  }
.Lfunc_end0:
.L_simem_size_0:
called_computation.1_lowered:
.L_overlay_start_0:
0x88: {  	s2 =	sld [smem:$0x3FD9]  }
0x89: {  	s3 =	sld [smem:$0x3FFE];
	_ =	sdelay $0x1  }
0x8a: {  	s1 =	srdreg.scid  }
0x8b: {  	s0 =	sand.u32 $0x1, s1  }
0x8c: {  	s16 =	sshll.u32 s0, $0xA;
	s2 =	sadd.s32 s3, s2  }
0x8d: {  	s2 =	sadd.s32 s2, s16  }
0x8e: {  	[smem:$0x3FBC] =	sst s2  }
0x8f: {  	_ = 	snop  }
0x90: {  	(tm) =	ssettm $0x1  }
0x91: {  	s17 =	sld [smem:$0x3FFB];
	_ =	sdelay $0x3  }
0x92: {  	_ =	strace s17  }
0x93: {  	s2 =	sld [smem:$0x3FFC];
	_ =	sdelay $0x3  }
0x94: {  	_ =	strace s2  }
0x95: {  	s2 =	sld [smem:$0x3FFD];
	_ =	sdelay $0x3  }
0x96: {  	_ =	strace s2  }
0x97: {  	_ =	strace $0x8FFFFFFF  }
0x98: {  	s18 =	sld [smem:$0x3FDB];
	_ =	sdelay $0x1  }
0x99: {  	s19 =	simm.s32 $_scs_section_size  }
0x9a: {  	s4 =	simm.s32 $_size__tile_overlayer_lowered;
	s5 =	simm.s32 $_tile_overlayer_lowered  }
0x9b: {  	s22 =	simm.s32 $0x1BFF;
	s21 =	sshll.u32 s5, $0x1;
	s2 =	sadd.s32 s19, s18  }
0x9c: {  	s6 =	simm.s32 $0x0;
	s20 =	sshll.u32 s4, $0x1;
	s4 =	sadd.s32 s21, s2  }
0x9d: {  	[timem:s6], [sflag:s22] =	dma.local [hbm:s4], s20  }
0x9e: {  	_ =	swait.ge [sflag:s22], s20  }
0x9f: {  	s3 =	ssub.s32 $0x0, s20;
	[sflag:s22] =	ssyncset.done $0x0  }
0xa0: {  	[sflag:s22] =	ssyncadd.s32 s3;
	_ =	sdelay $0x1  }
0xa1: {  	s23 =	simm.s32 $0x1B8B  }
0xa2: {  	_ =	swait.ge [sflag:s23], $0x1  }
0xa3: {  	[sflag:s23] =	ssyncset.done $0x0  }
0xa4: {  	s25 =	simm.s32 $0x1B8E;
	s24 =	sld [smem:$0x3FFE];
	[sflag:s23] =	ssyncadd.s32 $0xFFFFFFFF  }
0xa5: {  	s26 =	simm.s32 $execute0_lowered;
	[smem:$0x3FD2] =	sst s25  }
0xa6: {  	s4 =	sshll.u32 s26, $0x1;
	_ =	strace $0x80000046;
	[dreg:$0x1] =	wrdreg $0xFFFFFFFF  }
0xa7: {  	s28 =	simm.s32 $_size_execute0_lowered;
	s2 =	sadd.s32 s2, s4;
	[dreg:$0x0] =	wrdreg $0x0  }
0xa8: {  	s4 =	sshll.u32 s28, $0x1;
	[dreg:$0x2] =	wrdreg s2  }
0xa9: {  	[dreg:$0x3] =	wrdreg s4  }
0xaa: {  	[dreg:$0x4] =	wrdreg $0xC0  }
0xab: {  	_ =	task [dreg:s6], $0x5FFFF  }
0xac: {  	[dreg:$0x1] =	wrdreg $0xFFFFFFFF  }
0xad: {  	[dreg:$0x0] =	wrdreg $0x60  }
0xae: {  	[dreg:$0x2] =	wrdreg s24  }
0xaf: {  	[dreg:$0x3] =	wrdreg $0x84000  }
0xb0: {  	[dreg:$0x4] =	wrdreg $0xA  }
0xb1: {  	_ =	task.clear_ibuf [dreg:s6], $0x5FFFF;
	_ =	strace $0x90000046  }
0xb2: {  	s29 =	simm.s32 $0xA;
	_ =	strace $0x80000048  }
0xb3: {  	_ =	swait.ge [sflag:s29], $0x1  }
0xb4: {  	[sflag:s29] =	ssyncadd.s32 $0xFFFFFFFF  }
0xb5: {  	_ =	strace $0x90000048  }
0xb6: {  	_ =	sfence  }
0xb7: {  	s30 =	sld [smem:$0x0];
	_ =	sdelay $0x2  }
0xb8: {  	s31 =	sshll.u32 s1, $0xD;
	s1 =	sshrl.u32 s1, $0x2  }
0xb9: {  	s3 =	sand.u32 $0x4000, s31;
	s1 =	sadd.s32 s1, s30  }
0xba: {  	s0 =	sor.u32 s3, s0;
	s1 =	sshll.u32 s1, $0x11  }
0xbb: {  	s0 =	sor.u32 s1, s0  }
0xbc: {  	s0 =	sadd.s32 $0x8F2B, s0  }
0xbd: {  	[sflag:s0] =	ssyncadd.remote.s32 $0x1  }
0xbe: {  	_ =	sfence.sel $0xFFFF  }
0xbf: {  	[dreg:$0x0] =	wrdreg $0xFFFFFFFF;
	(pc) =	sbr.abs _section_cstart, $3  }
0xc0: {  	[dreg:$0x1] =	wrdreg $0xFFFFFFFF  }
0xc1: {  	_ =	task.clear_ibuf [dreg:s6], $0x2FFFF;
	_ =	strace $0x9FFFFFFF  }
0xc2: {  	(tm) =	ssettm $0x7FFFFFFF  }
0xc3: {  	_ =	shalt  }
tec
execute0_lowered:
.L_overlay_start_1:
0x0: {  	(tag) =	ssettag $0x1  }
0x1: {  	s0 =	rddreg [dreg:$0x0]  }
0x2: {  	s1 =	rddreg [dreg:$0x1]  }
0x3: {  	s3 =	simm.s32 $0x0;
	s11 =	stileid.u32;
	s2 =	srdreg.scid  }
0x4: {  	s28 =	simm.s32 $0x2;
	s29 =	simm.s32 $0x180;
	s30 =	simm.s32 $0x280  }
0x5: {  	s31 =	simm.s32 $0x380;
	[smem:$0x7FF] =	sst s3;
	s5 =	smul.u32 $0x2800, s11  }
0x6: {  	s4 =	sadd.s32 $0x16000, s0;
	s2 =	sand.u32 $0x1, s2;
	s10 =	smul.u32 $0x50000, s11  }
0x7: {  	s8 =	sadd.s32 $0x2000, s0;
	s15 =	smul.u32 $0x5000, s11;
	s19 =	sshll.u32 s11, $0x6  }
0x8: {  	_ =	strace $0x80000047;
	s6 =	smul.u32 $0x28000, s2;
	s7 =	sshll.u32 s2, $0x4  }
0x9: {  	s12 =	ssub.s32 $0x2, s2;
	s2 =	smul.u32 $0x50000, s2;
	s9 =	sadd.s32 s5, s0  }
0xa: {  	s7 =	sor.u32 s11, s7;
	s13 =	sshrl.u32 s12, $0x1;
	s14 =	sshrl.u32 s10, $0x2  }
0xb: {  	s5 =	sadd.s32 s5, s6;
	s7 =	smul.u32 $0x5000, s7;
	s17 =	sadd.s32 s14, s1  }
0xc: {  	s16 =	sadd.s32 $0x66000, s9;
	s2 =	sadd.s32 s15, s2;
	s0 =	sadd.s32 s5, s0  }
0xd: {  	s5 =	ssub.s32 s12, s13;
	[dreg:$0x3] =	wrdreg s16;
	s21 =	sor.u32 $0x700, s2  }
0xe: {  	s25 =	sor.u32 $0x600, s2;
	s26 =	sor.u32 $0x500, s2;
	s2 =	sor.u32 $0x400, s2  }
0xf: {  	s17 =	sshrl.u32 s17, $0x3;
	s18 =	sshrl.u32 s7, $0x3;
	s7 =	sor.u32 $0x1C07, s19  }
0x10: {  	s9 =	sshrl.u32 s21, $0x3;
	s0 =	sadd.s32 $0x8E000, s0;
	s24 =	smax.u32 s5, $0x1  }
0x11: {  	s5 =	sshrl.u32 s26, $0x3;
	s2 =	sshrl.u32 s2, $0x3;
	s19 =	simm.s32 $0x100  }
0x12: {  	s21 =	simm.s32 $0x300;
	s26 =	simm.s32 $0x80;
	[dreg:$0x7] =	wrdreg s0  }
0x13: {  	s6 =	sadd.s32 s8, s18;
	[dreg:$0x8] =	wrdreg s24;
	s13 =	sadd.s32 s9, s8  }
0x14: {  	s0 =	sshrl.u32 s25, $0x3;
	s15 =	sadd.s32 s5, s8;
	s16 =	sadd.s32 s2, s8  }
0x15: {  	s18 =	simm.s32 $0x7;
	s24 =	simm.s32 $0x4400;
	s25 =	simm.s32 $0x1  }
.Ltmp0:
0x16: {  	s2 =	simm.s32 $0x4;
	s20 =	sadd.s32 $0x20, s6;
	(pc) =	sbr.rel .LBB2_1-.Ltmp0, $4  }
0x17: {  	s5 =	simm.s32 $0x5;
	s22 =	sadd.s32 $0x40, s6;
	[dreg:$0x4] =	wrdreg s20  }
0x18: {  	s23 =	sadd.s32 $0x60, s6;
	s14 =	sadd.s32 s0, s8;
	[dreg:$0x5] =	wrdreg s22  }
0x19: {  	s0 =	simm.s32 $0x3;
	s8 =	simm.s32 $0x0;
	[dreg:$0x6] =	wrdreg s23  }
0x1a: {  	s20 =	simm.s32 $0x200;
	s22 =	simm.s32 $0x7D;
	s23 =	simm.s32 $0x400  }
.LBB2_7:
0x1b: {  	_ =	swait.ge [sflag:s28], $0x3E80  }
0x1c: {  	[sflag:s28] =	ssyncset.done $0x0  }
0x1d: {  	[sflag:s28] =	ssyncadd.s32 $0xFFFFC180  }
0x1e: {  	[spmem:s1] =	stream.indirect.scatter.add.f32 [tilespmem:s24], [sflag:$0x7], $0x80, s31, s22, $0xb8;
	[tilespmem:$0x1C400] =	vst v63  }
0x1f: {  	_ =	swait.ge [sflag:s18], $0x3E80  }
0x20: {  	[sflag:s18] =	ssyncset.done $0x0  }
0x21: {  	[sflag:s18] =	ssyncadd.s32 $0xFFFFC180  }
0x22: {  	[bflag:$0x0] =	sbarrier.arrive $0xFFFF  }
0x23: {  	s9 =	rddreg [dreg:$0x7]  }
0x24: {  	[hbm:s9], [sflag:s7] =	dma.local [spmem:s17], $0x2800  }
0x25: {  	_ =	swait.ge [sflag:s18], $0x2800  }
0x26: {  	s8 =	sadd.s32 $0x1, s8;
	s12 =	rddreg [dreg:$0x8]  }
0x27: {  	p0 =	sne.s32 s8, s12  }
.Ltmp1:
0x28: {  	_ = 	snop;
	(pc) =	sbr.rel @!p0 .LBB2_8-.Ltmp1, $3  }
0x29: {  	_ =	sdelay $0x1  }
0x2a: {  	[sflag:s18] =	ssyncset.done $0x0  }
0x2b: {  	[sflag:s18] =	ssyncadd.s32 $0xFFFFD800  }
.LBB2_1:
0x2c: {  	s9 =	rddreg [dreg:$0x3]  }
0x2d: {  	[spmem:s17], [sflag:s7] =	dma.local [hbm:s9], $0x2800  }
0x2e: {  	_ =	swait.ge [sflag:s18], $0x2800  }
0x2f: {  	[sflag:s18] =	ssyncset.done $0x0  }
0x30: {  	[sflag:s18] =	ssyncadd.s32 $0xFFFFD800  }
0x31: {  	[tilespmem:s3], [sflag:$0x7] =	stream.linear.gather [hbm4b:s6+s3], $0x100, $0x38;
	[tilespmem:$0x1C400] =	vst v63  }
0x32: {  	_ =	swait.ge [sflag:s18], $0x100  }
0x33: {  	[sflag:s18] =	ssyncset.done $0x0  }
0x34: {  	s10 =	rddreg [dreg:$0x4];
	[sflag:s18] =	ssyncadd.s32 $0xFFFFFF00  }
0x35: {  	[tilespmem:s19], [sflag:$0x7] =	stream.linear.gather [hbm4b:s10+s3], $0x100, $0x38;
	[tilespmem:$0x1C400] =	vst v63  }
0x36: {  	_ =	swait.ge [sflag:s18], $0x100  }
0x37: {  	[sflag:s18] =	ssyncset.done $0x0  }
0x38: {  	s11 =	rddreg [dreg:$0x5];
	[sflag:s18] =	ssyncadd.s32 $0xFFFFFF00  }
0x39: {  	[tilespmem:s20], [sflag:$0x7] =	stream.linear.gather [hbm4b:s11+s3], $0x100, $0x38;
	[tilespmem:$0x1C400] =	vst v63  }
0x3a: {  	_ =	swait.ge [sflag:s18], $0x100  }
0x3b: {  	[sflag:s18] =	ssyncset.done $0x0  }
0x3c: {  	s12 =	rddreg [dreg:$0x6];
	[sflag:s18] =	ssyncadd.s32 $0xFFFFFF00  }
0x3d: {  	[tilespmem:s21], [sflag:$0x7] =	stream.linear.gather [hbm4b:s12+s3], $0x100, $0x38;
	[tilespmem:$0x1C400] =	vst v63  }
0x3e: {  	_ =	swait.ge [sflag:s18], $0x100  }
0x3f: {  	[sflag:s18] =	ssyncset.done $0x0  }
0x40: {  	[sflag:s18] =	ssyncadd.s32 $0xFFFFFF00  }
0x41: {  	[tilespmem:s23], [sflag:$0x1] =	stream.indirect.gather [hbm4b:s4+s22], $0x80, s3, s22, $0xb8;
	[tilespmem:$0x1C400] =	vst v63  }
0x42: {  	_ = 	snop  }
0x43: {  	[tilespmem:s24], [sflag:$0x2] =	stream.indirect.gather [hbm4b:s4+s22], $0x80, s19, s22, $0xb8;
	[tilespmem:$0x1C400] =	vst v63  }
0x44: {  	s9 =	simm.s32 $0x0;
	[bflag:$0x0] =	sbarrier.arrive $0xFFFF  }
.LBB2_2:
0x45: {  	_ =	swait.ge [sflag:s25], $0x3E80;
	p0 =	seq.s32 s9, $0x980  }
0x46: {  	[sflag:s25] =	ssyncset.done $0x0;
	p1 =	seq.s32 @!p0 s9, $0x0  }
0x47: {  	[sflag:s25] =	ssyncadd.s32 $0xFFFFC180;
	p1 =	por p0, !p1  }
0x48: {  	[spmem:s1] =	stream.indirect.scatter.add.f32 [tilespmem:s23], [sflag:$0x7], $0x80, s26, s22, $0xb8;
	[tilespmem:$0x1C400] =	vst v63  }
.Ltmp2:
0x49: {  	_ = 	snop;
	(pc) =	sbr.rel @!p1 .LBB2_3-.Ltmp2, $4  }
0x4a: {  	_ =	swait.ge [sflag:s18], $0x3E80  }
0x4b: {  	[sflag:s18] =	ssyncset.done $0x0  }
0x4c: {  	s11 =	sadd.s32 @!p0 s9, s16;
	s10 =	simm.s32 @!p0 $0x0;
	[sflag:s18] =	ssyncadd.s32 $0xFFFFC180  }
0x4d: {  	[tilespmem:s10], [sflag:$0x3] =	stream.linear.gather @!p0 [hbm4b:s11+s10], $0x100, $0x38;
	[tilespmem:$0x1C400] =	vst v63  }
.Ltmp3:
0x4e: {  	(pc) =	sbr.rel .LBB2_5-.Ltmp3, $4  }
0x4f: {  	_ = 	snop  }
0x50: {  	_ =	swait.ge [sflag:s5], $0x100  }
0x51: {  	[sflag:s5] =	ssyncset.done $0x0  }
0x52: {  	p1 =	por $0x0, $0x0;
	[sflag:s5] =	ssyncadd.s32 $0xFFFFFF00  }
.LBB2_3:
0x53: {  	p1 =	por @!p0 $0x1, $0x1  }
.LBB2_5:
0x54: {  	[tilespmem:s23], [sflag:$0x1] =	stream.indirect.gather [hbm4b:s4+s22], $0x80, s20, s22, $0xb8;
	[tilespmem:$0x1C400] =	vst v63  }
0x55: {  	_ =	swait.ge [sflag:s28], $0x3E80  }
0x56: {  	[sflag:s28] =	ssyncset.done $0x0  }
0x57: {  	[sflag:s28] =	ssyncadd.s32 $0xFFFFC180  }
0x58: {  	[spmem:s1] =	stream.indirect.scatter.add.f32 [tilespmem:s24], [sflag:$0x7], $0x80, s29, s22, $0xb8;
	[tilespmem:$0x1C400] =	vst v63  }
0x59: {  	_ =	swait.ge [sflag:s18], $0x3E80  }
0x5a: {  	[sflag:s18] =	ssyncset.done $0x0  }
0x5b: {  	s11 =	sadd.s32 @!p0 s9, s15;
	s12 =	simm.s32 @!p0 $0x100;
	[sflag:s18] =	ssyncadd.s32 $0xFFFFC180  }
0x5c: {  	[tilespmem:s12], [sflag:$0x4] =	stream.linear.gather @!p0 [hbm4b:s11+s10], $0x100, $0x38;
	[tilespmem:$0x1C400] =	vst v63  }
0x5d: {  	s10 =	simm.s32 @!p1 $0x6  }
0x5e: {  	_ =	swait.ge @!p1 [sflag:s10], $0x100  }
0x5f: {  	[sflag:s10] =	ssyncset.done @!p1 $0x0  }
0x60: {  	[sflag:s10] =	ssyncadd.s32 @!p1 $0xFFFFFF00  }
0x61: {  	[tilespmem:s24], [sflag:$0x2] =	stream.indirect.gather [hbm4b:s4+s22], $0x80, s21, s22, $0xb8;
	[tilespmem:$0x1C400] =	vst v63  }
0x62: {  	_ =	swait.ge [sflag:s25], $0x3E80  }
0x63: {  	[sflag:s25] =	ssyncset.done $0x0  }
.Ltmp4:
0x64: {  	[sflag:s25] =	ssyncadd.s32 $0xFFFFC180;
	(pc) =	sbr.rel @p0 .LBB2_7-.Ltmp4, $4  }
0x65: {  	[spmem:s1] =	stream.indirect.scatter.add.f32 [tilespmem:s23], [sflag:$0x7], $0x80, s30, s22, $0xb8;
	[tilespmem:$0x1C400] =	vst v63  }
0x66: {  	_ =	swait.ge [sflag:s18], $0x3E80  }
0x67: {  	[sflag:s18] =	ssyncset.done $0x0  }
0x68: {  	[sflag:s18] =	ssyncadd.s32 $0xFFFFC180  }
0x69: {  	s10 =	sadd.s32 s9, s14  }
0x6a: {  	[tilespmem:s20], [sflag:$0x5] =	stream.linear.gather [hbm4b:s10+s3], $0x100, $0x38;
	[tilespmem:$0x1C400] =	vst v63  }
0x6b: {  	_ =	swait.ge [sflag:s0], $0x100  }
0x6c: {  	[sflag:s0] =	ssyncset.done $0x0  }
0x6d: {  	[sflag:s0] =	ssyncadd.s32 $0xFFFFFF00  }
0x6e: {  	[tilespmem:s23], [sflag:$0x1] =	stream.indirect.gather [hbm4b:s4+s22], $0x80, s3, s22, $0xb8;
	[tilespmem:$0x1C400] =	vst v63  }
0x6f: {  	_ =	swait.ge [sflag:s28], $0x3E80  }
0x70: {  	[sflag:s28] =	ssyncset.done $0x0  }
0x71: {  	[sflag:s28] =	ssyncadd.s32 $0xFFFFC180  }
0x72: {  	[spmem:s1] =	stream.indirect.scatter.add.f32 [tilespmem:s24], [sflag:$0x7], $0x80, s31, s22, $0xb8;
	[tilespmem:$0x1C400] =	vst v63  }
0x73: {  	_ =	swait.ge [sflag:s18], $0x3E80  }
0x74: {  	[sflag:s18] =	ssyncset.done $0x0  }
0x75: {  	s12 =	sadd.s32 s9, s13;
	[sflag:s18] =	ssyncadd.s32 $0xFFFFC180  }
0x76: {  	[tilespmem:s21], [sflag:$0x6] =	stream.linear.gather [hbm4b:s12+s3], $0x100, $0x38;
	[tilespmem:$0x1C400] =	vst v63  }
.Ltmp5:
0x77: {  	_ = 	snop;
	(pc) =	sbr.rel .LBB2_2-.Ltmp5, $4  }
0x78: {  	_ =	swait.ge [sflag:s2], $0x100  }
0x79: {  	[sflag:s2] =	ssyncset.done $0x0  }
0x7a: {  	s9 =	sadd.s32 $0x80, s9;
	[sflag:s2] =	ssyncadd.s32 $0xFFFFFF00  }
0x7b: {  	[tilespmem:s24], [sflag:$0x2] =	stream.indirect.gather [hbm4b:s4+s22], $0x80, s19, s22, $0xb8;
	[tilespmem:$0x1C400] =	vst v63  }
.LBB2_8:
0x7c: {  	_ =	sfence.sel $0x180000  }
0x7d: {  	[bflag:$0x0] =	sbarrier.arrive $0xFFFF  }
0x7e: {  	_ =	strace $0x90000047  }
0x7f: {  	s0 =	stileid.u32;
	[bflag:$0x2] =	sbarrier.arrive $0xFFFF  }
0x80: {  	p0 =	sne.s32 s0, $0x0;
	s0 =	rddreg [dreg:$0x2]  }
0x81: {  	s0 =	sadd.s32 @!p0 $0x100000, s0  }
0x82: {  	[sflag:s0] =	ssyncadd.tile.s32 @!p0 $0x1;
	_ =	shalt  }
.Lfunc_end2:
_tile_overlayer_lowered:
.L_overlay_start_2:
0x83: {  	(tag) =	ssettag $0x2  }
0x84: {  	s0 =	rddreg [dreg:$0x0];
	s2 =	stileid.u32  }
0x85: {  	s1 =	rddreg [dreg:$0x1];
	p0 =	sne.s32 s2, $0x0  }
0x86: {  	s3 =	rddreg [dreg:$0x2];
	[bflag:$0x3] =	sbarrier.arrive $0xFFFF;
	s2 =	simm.s32 @!p0 $0x1C07  }
0x87: {  	[timem:s3], [sflag:s2] =	dma.local @!p0 [hbm:s0], s1  }
0x88: {  	s0 =	simm.s32 @!p0 $0x7  }
0x89: {  	_ =	swait.ge @!p0 [sflag:s0], s1  }
0x8a: {  	s1 =	ssub.s32 @!p0 $0x0, s1;
	[sflag:s0] =	ssyncset.done @!p0 $0x0  }
0x8b: {  	[sflag:s0] =	ssyncadd.s32 @!p0 s1  }
0x8c: {  	[bflag:$0x3] =	sbarrier.arrive $0xFFFF  }
0x8d: {  	_ =	shalt  }

// kernel: kernel.13.cloned.1.call-start
scs
__scs_entry_jumppad:
0x0: {  	(pc) =	sbr.rel $0x88, $3  }
0x1: {  	(tag) =	ssettag $0x0;
	lr =	simm.s32 $0x1  }
0x2: {  	[smem:$0x3F95] =	sst lr;
	_ =	strace $0xD0000000  }
0x3: {  	_ = 	snop  }
0x4: {  	_ = 	snop  }
0x5: {  	_ = 	snop  }
0x6: {  	_ = 	snop  }
0x7: {  	_ = 	snop  }
__scs_overlays_trampoline_lowered:
0x8: {  	[smem:$0x3FA4] =	sst s0  }
0x9: {  	[smem:$0x3FA5] =	sst s1  }
0xa: {  	[smem:$0x3FA6] =	sst s2  }
0xb: {  	[smem:$0x3FA7] =	sst s3  }
0xc: {  	[smem:$0x3FA8] =	sst s4  }
0xd: {  	[smem:$0x3FA9] =	sst s5  }
0xe: {  	[smem:$0x3FAA] =	sst s6  }
0xf: {  	[smem:$0x3FAB] =	sst s7  }
0x10: {  	[smem:$0x3FAC] =	sst s8  }
0x11: {  	[smem:$0x3FAD] =	sst s9;
	s0 =	simm.s32 @!p0 $0x0  }
0x12: {  	s1 =	sld [smem:$0x3F93];
	s0 =	simm.s32 @p0 $0x1  }
0x13: {  	[smem:$0x3FAE] =	sst s0;
	s0 =	simm.s32 @!p1 $0x0  }
0x14: {  	s2 =	sld [smem:$0x3F92];
	s0 =	simm.s32 @p1 $0x1  }
0x15: {  	[smem:$0x3FAF] =	sst s0;
	s0 =	simm.s32 @!p2 $0x0  }
0x16: {  	s3 =	sld [smem:$0x3FDB];
	s0 =	simm.s32 @p2 $0x1  }
0x17: {  	s4 =	simm.s32 $0x1BF5;
	[smem:$0x3FB1] =	sst s0  }
0x18: {  	s0 =	sld [smem:$0x3F94];
	_ =	swait.ge [sflag:s4], $0x0  }
0x19: {  	s7 =	sld [smem:$0x3F95]  }
0x1a: {  	s8 =	sadd.s32 $0xFFFFE003, lr  }
0x1b: {  	s9 =	sadd.s32 $0xFFFFFEF7, lr;
	s5 =	simm.s32 $0xFFFFFFFF;
	p2 =	slt.u32 s8, $0xFFFFF086  }
0x1c: {  	p1 =	slt.u32 s9, $0xF7A;
	s5 =	simm.s32 @!p2 $0x0  }
0x1d: {  	s5 =	simm.s32 @p1 $0x1;
	p0 =	seq.s32 s7, s2  }
0x1e: {  	s7 =	smul.u32 @!p0 $0xF7A, s2;
	p2 =	seq.s32 @!p0 s5, $0x0  }
0x1f: {  	s9 =	smul.u32 $0xF7A, s1;
	s8 =	simm.s32 @!p0 $0x1BF5;
	p2 =	por !p2, p0  }
0x20: {  	[sflag:s8] =	ssyncset.s32 @!p0 $0xFFFFF086;
	s6 =	sadd.s32 @!p0 s3, s7;
	s7 =	simm.s32 @!p0 $0x108  }
0x21: {  	s3 =	sadd.s32 s3, s9;
	s6 =	sadd.s32 @!p0 $0x88, s6;
	s7 =	simm.s32 @p2 $0x1082  }
0x22: {  	[simem:s7], [sflag:s8] =	dma.local @!p0 [hbm:s6], $0xF7A  }
0x23: {  	s9 =	sor.u32 $0xD0000000, s2;
	s6 =	simm.s32 $0x108;
	_ =	swait.ge @!p0 [sflag:s8], $0x0  }
0x24: {  	s3 =	sadd.s32 $0x88, s3;
	s6 =	simm.s32 @!p1 $0x1082;
	[sflag:s4] =	ssyncset.s32 $0xFFFFF086  }
0x25: {  	[simem:s6], [sflag:s4] =	dma.local [hbm:s3], $0xF7A  }
0x26: {  	[smem:$0x3F95] =	sst s1;
	(tag) =	ssettag s2;
	_ =	strace s9  }
0x27: {  	s1 =	sld [smem:$0x3FA5]  }
0x28: {  	s2 =	sld [smem:$0x3FA6]  }
0x29: {  	s4 =	sld [smem:$0x3FA8]  }
0x2a: {  	p0 =	seq.s32 s5, $0x0;
	s5 =	sld [smem:$0x3FA9]  }
0x2b: {  	s6 =	sld [smem:$0x3FAA]  }
0x2c: {  	s7 =	sld [smem:$0x3FAB]  }
0x2d: {  	s3 =	simm.s32 $0x108;
	s8 =	sld [smem:$0x3FAC]  }
0x2e: {  	s3 =	simm.s32 @!p0 $0x1082;
	s9 =	sld [smem:$0x3FAD]  }
0x2f: {  	lr =	sadd.s32 s0, s3;
	s0 =	sld [smem:$0x3FA4]  }
0x30: {  	s3 =	sld [smem:$0x3FA7]  }
0x31: {  	[smem:$0x3FB0] =	sst s10  }
0x32: {  	s10 =	sld [smem:$0x3FAE];
	_ =	sdelay $0x3  }
0x33: {  	p0 =	seq.s32 s10, $0x1;
	s10 =	sld [smem:$0x3FB0];
	_ =	sdelay $0x3  }
0x34: {  	[smem:$0x3FB0] =	sst s10  }
0x35: {  	s10 =	sld [smem:$0x3FAF];
	_ =	sdelay $0x3  }
0x36: {  	p1 =	seq.s32 s10, $0x1;
	s10 =	sld [smem:$0x3FB0];
	_ =	sdelay $0x3  }
0x37: {  	[smem:$0x3FB0] =	sst s10  }
0x38: {  	s10 =	sld [smem:$0x3FB1]  }
0x39: {  	_ = 	snop;
	(pc) =	sbr.ind lr, $3  }
0x3a: {  	_ = 	snop  }
0x3b: {  	_ = 	snop  }
0x3c: {  	p2 =	seq.s32 s10, $0x1;
	s10 =	sld [smem:$0x3FB0]  }
0x3d: {  	_ =	shalt  }
0x3e: {  	_ =	shalt  }
0x3f: {  	_ =	shalt  }
0x40: {  	_ =	shalt  }
0x41: {  	_ =	shalt  }
0x42: {  	_ =	shalt  }
0x43: {  	_ =	shalt  }
0x44: {  	_ =	shalt  }
0x45: {  	_ =	shalt  }
0x46: {  	_ =	shalt  }
0x47: {  	_ =	shalt  }
0x48: {  	_ =	shalt  }
0x49: {  	_ =	shalt  }
0x4a: {  	_ =	shalt  }
0x4b: {  	_ =	shalt  }
0x4c: {  	_ =	shalt  }
0x4d: {  	_ =	shalt  }
0x4e: {  	_ =	shalt  }
0x4f: {  	_ =	shalt  }
0x50: {  	_ =	shalt  }
0x51: {  	_ =	shalt  }
0x52: {  	_ =	shalt  }
0x53: {  	_ =	shalt  }
0x54: {  	_ =	shalt  }
0x55: {  	_ =	shalt  }
0x56: {  	_ =	shalt  }
0x57: {  	_ =	shalt  }
0x58: {  	_ =	shalt  }
0x59: {  	_ =	shalt  }
0x5a: {  	_ =	shalt  }
0x5b: {  	_ =	shalt  }
0x5c: {  	_ =	shalt  }
0x5d: {  	_ =	shalt  }
0x5e: {  	_ =	shalt  }
0x5f: {  	_ =	shalt  }
0x60: {  	_ =	shalt  }
0x61: {  	_ =	shalt  }
0x62: {  	_ =	shalt  }
0x63: {  	_ =	shalt  }
0x64: {  	_ =	shalt  }
0x65: {  	_ =	shalt  }
0x66: {  	_ =	shalt  }
0x67: {  	_ =	shalt  }
0x68: {  	_ =	shalt  }
0x69: {  	_ =	shalt  }
0x6a: {  	_ =	shalt  }
0x6b: {  	_ =	shalt  }
0x6c: {  	_ =	shalt  }
0x6d: {  	_ =	shalt  }
0x6e: {  	_ =	shalt  }
0x6f: {  	_ =	shalt  }
0x70: {  	_ =	shalt  }
0x71: {  	_ =	shalt  }
0x72: {  	_ =	shalt  }
0x73: {  	_ =	shalt  }
0x74: {  	_ =	shalt  }
0x75: {  	_ =	shalt  }
0x76: {  	_ =	shalt  }
0x77: {  	_ =	shalt  }
0x78: {  	_ =	shalt  }
0x79: {  	_ =	shalt  }
0x7a: {  	_ =	shalt  }
0x7b: {  	_ =	shalt  }
0x7c: {  	_ =	shalt  }
0x7d: {  	_ =	shalt  }
0x7e: {  	_ =	shalt  }
0x7f: {  	_ =	shalt  }
0x80: {  	_ =	shalt  }
0x81: {  	_ =	shalt  }
0x82: {  	_ =	shalt  }
0x83: {  	_ =	shalt  }
0x84: {  	_ =	shalt  }
0x85: {  	_ =	shalt  }
0x86: {  	_ =	shalt  }
0x87: {  	_ =	shalt  }
.Lfunc_end0:
.L_simem_size_0:
called_computation.2_lowered:
.L_overlay_start_0:
0x88: {  	s2 =	sld [smem:$0x3FD9]  }
0x89: {  	s3 =	sld [smem:$0x3FFE];
	_ =	sdelay $0x1  }
0x8a: {  	s1 =	srdreg.scid  }
0x8b: {  	s0 =	sand.u32 $0x1, s1  }
0x8c: {  	s16 =	sshll.u32 s0, $0xA;
	s2 =	sadd.s32 s3, s2  }
0x8d: {  	s2 =	sadd.s32 s2, s16  }
0x8e: {  	[smem:$0x3FBC] =	sst s2  }
0x8f: {  	_ = 	snop  }
0x90: {  	(tm) =	ssettm $0x1  }
0x91: {  	s17 =	sld [smem:$0x3FFB];
	_ =	sdelay $0x3  }
0x92: {  	_ =	strace s17  }
0x93: {  	s2 =	sld [smem:$0x3FFC];
	_ =	sdelay $0x3  }
0x94: {  	_ =	strace s2  }
0x95: {  	s2 =	sld [smem:$0x3FFD];
	_ =	sdelay $0x3  }
0x96: {  	_ =	strace s2  }
0x97: {  	_ =	strace $0x8FFFFFFF  }
0x98: {  	s18 =	sld [smem:$0x3FDB];
	_ =	sdelay $0x1  }
0x99: {  	s19 =	simm.s32 $_scs_section_size  }
0x9a: {  	s4 =	simm.s32 $_size__tile_overlayer_lowered;
	s5 =	simm.s32 $_tile_overlayer_lowered  }
0x9b: {  	s22 =	simm.s32 $0x1BFF;
	s21 =	sshll.u32 s5, $0x1;
	s2 =	sadd.s32 s19, s18  }
0x9c: {  	s6 =	simm.s32 $0x0;
	s20 =	sshll.u32 s4, $0x1;
	s4 =	sadd.s32 s21, s2  }
0x9d: {  	[timem:s6], [sflag:s22] =	dma.local [hbm:s4], s20  }
0x9e: {  	_ =	swait.ge [sflag:s22], s20  }
0x9f: {  	s3 =	ssub.s32 $0x0, s20;
	[sflag:s22] =	ssyncset.done $0x0  }
0xa0: {  	[sflag:s22] =	ssyncadd.s32 s3;
	_ =	sdelay $0x1  }
0xa1: {  	s23 =	simm.s32 $0x1B8B  }
0xa2: {  	_ =	swait.ge [sflag:s23], $0x1  }
0xa3: {  	[sflag:s23] =	ssyncset.done $0x0  }
0xa4: {  	s25 =	simm.s32 $0x1B8E;
	s24 =	sld [smem:$0x3FFE];
	[sflag:s23] =	ssyncadd.s32 $0xFFFFFFFF  }
0xa5: {  	s26 =	simm.s32 $execute0_lowered;
	[smem:$0x3FD2] =	sst s25  }
0xa6: {  	s4 =	sshll.u32 s26, $0x1;
	_ =	strace $0x8000004C;
	[dreg:$0x1] =	wrdreg $0xFFFFFFFF  }
0xa7: {  	s28 =	simm.s32 $_size_execute0_lowered;
	s2 =	sadd.s32 s2, s4;
	[dreg:$0x0] =	wrdreg $0x0  }
0xa8: {  	s4 =	sshll.u32 s28, $0x1;
	[dreg:$0x2] =	wrdreg s2  }
0xa9: {  	[dreg:$0x3] =	wrdreg s4  }
0xaa: {  	[dreg:$0x4] =	wrdreg $0xC0  }
0xab: {  	_ =	task [dreg:s6], $0x5FFFF  }
0xac: {  	[dreg:$0x1] =	wrdreg $0xFFFFFFFF  }
0xad: {  	[dreg:$0x0] =	wrdreg $0x60  }
0xae: {  	[dreg:$0x2] =	wrdreg s24  }
0xaf: {  	[dreg:$0x3] =	wrdreg $0x84000  }
0xb0: {  	[dreg:$0x4] =	wrdreg $0x9  }
0xb1: {  	_ =	task.clear_ibuf [dreg:s6], $0x5FFFF;
	_ =	strace $0x9000004C  }
0xb2: {  	s29 =	simm.s32 $0x9;
	_ =	strace $0x8000004E  }
0xb3: {  	_ =	swait.ge [sflag:s29], $0x1  }
0xb4: {  	[sflag:s29] =	ssyncadd.s32 $0xFFFFFFFF  }
0xb5: {  	_ =	strace $0x9000004E  }
0xb6: {  	_ =	sfence  }
0xb7: {  	s30 =	sld [smem:$0x0];
	_ =	sdelay $0x2  }
0xb8: {  	s31 =	sshll.u32 s1, $0xD;
	s1 =	sshrl.u32 s1, $0x2  }
0xb9: {  	s3 =	sand.u32 $0x4000, s31;
	s1 =	sadd.s32 s1, s30  }
0xba: {  	s0 =	sor.u32 s3, s0;
	s1 =	sshll.u32 s1, $0x11  }
0xbb: {  	s0 =	sor.u32 s1, s0  }
0xbc: {  	s0 =	sadd.s32 $0x8F2B, s0  }
0xbd: {  	[sflag:s0] =	ssyncadd.remote.s32 $0x1  }
0xbe: {  	_ =	sfence.sel $0xFFFF  }
0xbf: {  	[dreg:$0x0] =	wrdreg $0xFFFFFFFF;
	(pc) =	sbr.abs _section_cstart, $3  }
0xc0: {  	[dreg:$0x1] =	wrdreg $0xFFFFFFFF  }
0xc1: {  	_ =	task.clear_ibuf [dreg:s6], $0x2FFFF;
	_ =	strace $0x9FFFFFFF  }
0xc2: {  	(tm) =	ssettm $0x7FFFFFFF  }
0xc3: {  	_ =	shalt  }
tec
execute0_lowered:
.L_overlay_start_1:
0x0: {  	(tag) =	ssettag $0x1  }
0x1: {  	s0 =	rddreg [dreg:$0x0]  }
0x2: {  	s1 =	rddreg [dreg:$0x1]  }
0x3: {  	s3 =	simm.s32 $0x0;
	s11 =	stileid.u32;
	s2 =	srdreg.scid  }
0x4: {  	s28 =	simm.s32 $0x2;
	s29 =	simm.s32 $0x180;
	s30 =	simm.s32 $0x280  }
0x5: {  	s31 =	simm.s32 $0x380;
	[smem:$0x7FF] =	sst s3;
	s5 =	smul.u32 $0x2800, s11  }
0x6: {  	s4 =	sadd.s32 $0x16000, s0;
	s2 =	sand.u32 $0x1, s2;
	s10 =	smul.u32 $0x50000, s11  }
0x7: {  	s8 =	sadd.s32 $0x2000, s0;
	s15 =	smul.u32 $0x5000, s11;
	s19 =	sshll.u32 s11, $0x6  }
0x8: {  	_ =	strace $0x8000004D;
	s6 =	smul.u32 $0x28000, s2;
	s7 =	sshll.u32 s2, $0x4  }
0x9: {  	s12 =	ssub.s32 $0x2, s2;
	s2 =	smul.u32 $0x50000, s2;
	s9 =	sadd.s32 s5, s0  }
0xa: {  	s7 =	sor.u32 s11, s7;
	s13 =	sshrl.u32 s12, $0x1;
	s14 =	sshrl.u32 s10, $0x2  }
0xb: {  	s5 =	sadd.s32 s5, s6;
	s7 =	smul.u32 $0x5000, s7;
	s17 =	sadd.s32 s14, s1  }
0xc: {  	s16 =	sadd.s32 $0x66000, s9;
	s2 =	sadd.s32 s15, s2;
	s0 =	sadd.s32 s5, s0  }
0xd: {  	s5 =	ssub.s32 s12, s13;
	[dreg:$0x3] =	wrdreg s16;
	s21 =	sor.u32 $0x700, s2  }
0xe: {  	s25 =	sor.u32 $0x600, s2;
	s26 =	sor.u32 $0x500, s2;
	s2 =	sor.u32 $0x400, s2  }
0xf: {  	s17 =	sshrl.u32 s17, $0x3;
	s18 =	sshrl.u32 s7, $0x3;
	s7 =	sor.u32 $0x1C07, s19  }
0x10: {  	s9 =	sshrl.u32 s21, $0x3;
	s0 =	sadd.s32 $0x8E000, s0;
	s24 =	smax.u32 s5, $0x1  }
0x11: {  	s5 =	sshrl.u32 s26, $0x3;
	s2 =	sshrl.u32 s2, $0x3;
	s19 =	simm.s32 $0x100  }
0x12: {  	s21 =	simm.s32 $0x300;
	s26 =	simm.s32 $0x80;
	[dreg:$0x7] =	wrdreg s0  }
0x13: {  	s6 =	sadd.s32 s8, s18;
	[dreg:$0x8] =	wrdreg s24;
	s13 =	sadd.s32 s9, s8  }
0x14: {  	s0 =	sshrl.u32 s25, $0x3;
	s15 =	sadd.s32 s5, s8;
	s16 =	sadd.s32 s2, s8  }
0x15: {  	s18 =	simm.s32 $0x7;
	s24 =	simm.s32 $0x4400;
	s25 =	simm.s32 $0x1  }
.Ltmp0:
0x16: {  	s2 =	simm.s32 $0x4;
	s20 =	sadd.s32 $0x20, s6;
	(pc) =	sbr.rel .LBB2_1-.Ltmp0, $4  }
0x17: {  	s5 =	simm.s32 $0x5;
	s22 =	sadd.s32 $0x40, s6;
	[dreg:$0x4] =	wrdreg s20  }
0x18: {  	s23 =	sadd.s32 $0x60, s6;
	s14 =	sadd.s32 s0, s8;
	[dreg:$0x5] =	wrdreg s22  }
0x19: {  	s0 =	simm.s32 $0x3;
	s8 =	simm.s32 $0x0;
	[dreg:$0x6] =	wrdreg s23  }
0x1a: {  	s20 =	simm.s32 $0x200;
	s22 =	simm.s32 $0x7D;
	s23 =	simm.s32 $0x400  }
.LBB2_7:
0x1b: {  	_ =	swait.ge [sflag:s28], $0x3E80  }
0x1c: {  	[sflag:s28] =	ssyncset.done $0x0  }
0x1d: {  	[sflag:s28] =	ssyncadd.s32 $0xFFFFC180  }
0x1e: {  	[spmem:s1] =	stream.indirect.scatter.add.f32 [tilespmem:s24], [sflag:$0x7], $0x80, s31, s22, $0xb8;
	[tilespmem:$0x1C400] =	vst v63  }
0x1f: {  	_ =	swait.ge [sflag:s18], $0x3E80  }
0x20: {  	[sflag:s18] =	ssyncset.done $0x0  }
0x21: {  	[sflag:s18] =	ssyncadd.s32 $0xFFFFC180  }
0x22: {  	[bflag:$0x0] =	sbarrier.arrive $0xFFFF  }
0x23: {  	s9 =	rddreg [dreg:$0x7]  }
0x24: {  	[hbm:s9], [sflag:s7] =	dma.local [spmem:s17], $0x2800  }
0x25: {  	_ =	swait.ge [sflag:s18], $0x2800  }
0x26: {  	s8 =	sadd.s32 $0x1, s8;
	s12 =	rddreg [dreg:$0x8]  }
0x27: {  	p0 =	sne.s32 s8, s12  }
.Ltmp1:
0x28: {  	_ = 	snop;
	(pc) =	sbr.rel @!p0 .LBB2_8-.Ltmp1, $3  }
0x29: {  	_ =	sdelay $0x1  }
0x2a: {  	[sflag:s18] =	ssyncset.done $0x0  }
0x2b: {  	[sflag:s18] =	ssyncadd.s32 $0xFFFFD800  }
.LBB2_1:
0x2c: {  	s9 =	rddreg [dreg:$0x3]  }
0x2d: {  	[spmem:s17], [sflag:s7] =	dma.local [hbm:s9], $0x2800  }
0x2e: {  	_ =	swait.ge [sflag:s18], $0x2800  }
0x2f: {  	[sflag:s18] =	ssyncset.done $0x0  }
0x30: {  	[sflag:s18] =	ssyncadd.s32 $0xFFFFD800  }
0x31: {  	[tilespmem:s3], [sflag:$0x7] =	stream.linear.gather [hbm4b:s6+s3], $0x100, $0x38;
	[tilespmem:$0x1C400] =	vst v63  }
0x32: {  	_ =	swait.ge [sflag:s18], $0x100  }
0x33: {  	[sflag:s18] =	ssyncset.done $0x0  }
0x34: {  	s10 =	rddreg [dreg:$0x4];
	[sflag:s18] =	ssyncadd.s32 $0xFFFFFF00  }
0x35: {  	[tilespmem:s19], [sflag:$0x7] =	stream.linear.gather [hbm4b:s10+s3], $0x100, $0x38;
	[tilespmem:$0x1C400] =	vst v63  }
0x36: {  	_ =	swait.ge [sflag:s18], $0x100  }
0x37: {  	[sflag:s18] =	ssyncset.done $0x0  }
0x38: {  	s11 =	rddreg [dreg:$0x5];
	[sflag:s18] =	ssyncadd.s32 $0xFFFFFF00  }
0x39: {  	[tilespmem:s20], [sflag:$0x7] =	stream.linear.gather [hbm4b:s11+s3], $0x100, $0x38;
	[tilespmem:$0x1C400] =	vst v63  }
0x3a: {  	_ =	swait.ge [sflag:s18], $0x100  }
0x3b: {  	[sflag:s18] =	ssyncset.done $0x0  }
0x3c: {  	s12 =	rddreg [dreg:$0x6];
	[sflag:s18] =	ssyncadd.s32 $0xFFFFFF00  }
0x3d: {  	[tilespmem:s21], [sflag:$0x7] =	stream.linear.gather [hbm4b:s12+s3], $0x100, $0x38;
	[tilespmem:$0x1C400] =	vst v63  }
0x3e: {  	_ =	swait.ge [sflag:s18], $0x100  }
0x3f: {  	[sflag:s18] =	ssyncset.done $0x0  }
0x40: {  	[sflag:s18] =	ssyncadd.s32 $0xFFFFFF00  }
0x41: {  	[tilespmem:s23], [sflag:$0x1] =	stream.indirect.gather [hbm4b:s4+s22], $0x80, s3, s22, $0xb8;
	[tilespmem:$0x1C400] =	vst v63  }
0x42: {  	_ = 	snop  }
0x43: {  	[tilespmem:s24], [sflag:$0x2] =	stream.indirect.gather [hbm4b:s4+s22], $0x80, s19, s22, $0xb8;
	[tilespmem:$0x1C400] =	vst v63  }
0x44: {  	s9 =	simm.s32 $0x0;
	[bflag:$0x0] =	sbarrier.arrive $0xFFFF  }
.LBB2_2:
0x45: {  	_ =	swait.ge [sflag:s25], $0x3E80;
	p0 =	seq.s32 s9, $0x980  }
0x46: {  	[sflag:s25] =	ssyncset.done $0x0;
	p1 =	seq.s32 @!p0 s9, $0x0  }
0x47: {  	[sflag:s25] =	ssyncadd.s32 $0xFFFFC180;
	p1 =	por p0, !p1  }
0x48: {  	[spmem:s1] =	stream.indirect.scatter.add.f32 [tilespmem:s23], [sflag:$0x7], $0x80, s26, s22, $0xb8;
	[tilespmem:$0x1C400] =	vst v63  }
.Ltmp2:
0x49: {  	_ = 	snop;
	(pc) =	sbr.rel @!p1 .LBB2_3-.Ltmp2, $4  }
0x4a: {  	_ =	swait.ge [sflag:s18], $0x3E80  }
0x4b: {  	[sflag:s18] =	ssyncset.done $0x0  }
0x4c: {  	s11 =	sadd.s32 @!p0 s9, s16;
	s10 =	simm.s32 @!p0 $0x0;
	[sflag:s18] =	ssyncadd.s32 $0xFFFFC180  }
0x4d: {  	[tilespmem:s10], [sflag:$0x3] =	stream.linear.gather @!p0 [hbm4b:s11+s10], $0x100, $0x38;
	[tilespmem:$0x1C400] =	vst v63  }
.Ltmp3:
0x4e: {  	(pc) =	sbr.rel .LBB2_5-.Ltmp3, $4  }
0x4f: {  	_ = 	snop  }
0x50: {  	_ =	swait.ge [sflag:s5], $0x100  }
0x51: {  	[sflag:s5] =	ssyncset.done $0x0  }
0x52: {  	p1 =	por $0x0, $0x0;
	[sflag:s5] =	ssyncadd.s32 $0xFFFFFF00  }
.LBB2_3:
0x53: {  	p1 =	por @!p0 $0x1, $0x1  }
.LBB2_5:
0x54: {  	[tilespmem:s23], [sflag:$0x1] =	stream.indirect.gather [hbm4b:s4+s22], $0x80, s20, s22, $0xb8;
	[tilespmem:$0x1C400] =	vst v63  }
0x55: {  	_ =	swait.ge [sflag:s28], $0x3E80  }
0x56: {  	[sflag:s28] =	ssyncset.done $0x0  }
0x57: {  	[sflag:s28] =	ssyncadd.s32 $0xFFFFC180  }
0x58: {  	[spmem:s1] =	stream.indirect.scatter.add.f32 [tilespmem:s24], [sflag:$0x7], $0x80, s29, s22, $0xb8;
	[tilespmem:$0x1C400] =	vst v63  }
0x59: {  	_ =	swait.ge [sflag:s18], $0x3E80  }
0x5a: {  	[sflag:s18] =	ssyncset.done $0x0  }
0x5b: {  	s11 =	sadd.s32 @!p0 s9, s15;
	s12 =	simm.s32 @!p0 $0x100;
	[sflag:s18] =	ssyncadd.s32 $0xFFFFC180  }
0x5c: {  	[tilespmem:s12], [sflag:$0x4] =	stream.linear.gather @!p0 [hbm4b:s11+s10], $0x100, $0x38;
	[tilespmem:$0x1C400] =	vst v63  }
0x5d: {  	s10 =	simm.s32 @!p1 $0x6  }
0x5e: {  	_ =	swait.ge @!p1 [sflag:s10], $0x100  }
0x5f: {  	[sflag:s10] =	ssyncset.done @!p1 $0x0  }
0x60: {  	[sflag:s10] =	ssyncadd.s32 @!p1 $0xFFFFFF00  }
0x61: {  	[tilespmem:s24], [sflag:$0x2] =	stream.indirect.gather [hbm4b:s4+s22], $0x80, s21, s22, $0xb8;
	[tilespmem:$0x1C400] =	vst v63  }
0x62: {  	_ =	swait.ge [sflag:s25], $0x3E80  }
0x63: {  	[sflag:s25] =	ssyncset.done $0x0  }
.Ltmp4:
0x64: {  	[sflag:s25] =	ssyncadd.s32 $0xFFFFC180;
	(pc) =	sbr.rel @p0 .LBB2_7-.Ltmp4, $4  }
0x65: {  	[spmem:s1] =	stream.indirect.scatter.add.f32 [tilespmem:s23], [sflag:$0x7], $0x80, s30, s22, $0xb8;
	[tilespmem:$0x1C400] =	vst v63  }
0x66: {  	_ =	swait.ge [sflag:s18], $0x3E80  }
0x67: {  	[sflag:s18] =	ssyncset.done $0x0  }
0x68: {  	[sflag:s18] =	ssyncadd.s32 $0xFFFFC180  }
0x69: {  	s10 =	sadd.s32 s9, s14  }
0x6a: {  	[tilespmem:s20], [sflag:$0x5] =	stream.linear.gather [hbm4b:s10+s3], $0x100, $0x38;
	[tilespmem:$0x1C400] =	vst v63  }
0x6b: {  	_ =	swait.ge [sflag:s0], $0x100  }
0x6c: {  	[sflag:s0] =	ssyncset.done $0x0  }
0x6d: {  	[sflag:s0] =	ssyncadd.s32 $0xFFFFFF00  }
0x6e: {  	[tilespmem:s23], [sflag:$0x1] =	stream.indirect.gather [hbm4b:s4+s22], $0x80, s3, s22, $0xb8;
	[tilespmem:$0x1C400] =	vst v63  }
0x6f: {  	_ =	swait.ge [sflag:s28], $0x3E80  }
0x70: {  	[sflag:s28] =	ssyncset.done $0x0  }
0x71: {  	[sflag:s28] =	ssyncadd.s32 $0xFFFFC180  }
0x72: {  	[spmem:s1] =	stream.indirect.scatter.add.f32 [tilespmem:s24], [sflag:$0x7], $0x80, s31, s22, $0xb8;
	[tilespmem:$0x1C400] =	vst v63  }
0x73: {  	_ =	swait.ge [sflag:s18], $0x3E80  }
0x74: {  	[sflag:s18] =	ssyncset.done $0x0  }
0x75: {  	s12 =	sadd.s32 s9, s13;
	[sflag:s18] =	ssyncadd.s32 $0xFFFFC180  }
0x76: {  	[tilespmem:s21], [sflag:$0x6] =	stream.linear.gather [hbm4b:s12+s3], $0x100, $0x38;
	[tilespmem:$0x1C400] =	vst v63  }
.Ltmp5:
0x77: {  	_ = 	snop;
	(pc) =	sbr.rel .LBB2_2-.Ltmp5, $4  }
0x78: {  	_ =	swait.ge [sflag:s2], $0x100  }
0x79: {  	[sflag:s2] =	ssyncset.done $0x0  }
0x7a: {  	s9 =	sadd.s32 $0x80, s9;
	[sflag:s2] =	ssyncadd.s32 $0xFFFFFF00  }
0x7b: {  	[tilespmem:s24], [sflag:$0x2] =	stream.indirect.gather [hbm4b:s4+s22], $0x80, s19, s22, $0xb8;
	[tilespmem:$0x1C400] =	vst v63  }
.LBB2_8:
0x7c: {  	_ =	sfence.sel $0x180000  }
0x7d: {  	[bflag:$0x0] =	sbarrier.arrive $0xFFFF  }
0x7e: {  	_ =	strace $0x9000004D  }
0x7f: {  	s0 =	stileid.u32;
	[bflag:$0x2] =	sbarrier.arrive $0xFFFF  }
0x80: {  	p0 =	sne.s32 s0, $0x0;
	s0 =	rddreg [dreg:$0x2]  }
0x81: {  	s0 =	sadd.s32 @!p0 $0x100000, s0  }
0x82: {  	[sflag:s0] =	ssyncadd.tile.s32 @!p0 $0x1;
	_ =	shalt  }
.Lfunc_end2:
_tile_overlayer_lowered:
.L_overlay_start_2:
0x83: {  	(tag) =	ssettag $0x2  }
0x84: {  	s0 =	rddreg [dreg:$0x0];
	s2 =	stileid.u32  }
0x85: {  	s1 =	rddreg [dreg:$0x1];
	p0 =	sne.s32 s2, $0x0  }
0x86: {  	s3 =	rddreg [dreg:$0x2];
	[bflag:$0x3] =	sbarrier.arrive $0xFFFF;
	s2 =	simm.s32 @!p0 $0x1C07  }
0x87: {  	[timem:s3], [sflag:s2] =	dma.local @!p0 [hbm:s0], s1  }
0x88: {  	s0 =	simm.s32 @!p0 $0x7  }
0x89: {  	_ =	swait.ge @!p0 [sflag:s0], s1  }
0x8a: {  	s1 =	ssub.s32 @!p0 $0x0, s1;
	[sflag:s0] =	ssyncset.done @!p0 $0x0  }
0x8b: {  	[sflag:s0] =	ssyncadd.s32 @!p0 s1  }
0x8c: {  	[bflag:$0x3] =	sbarrier.arrive $0xFFFF  }
0x8d: {  	_ =	shalt  }

// kernel: kernel.7.cloned.1.call-start
scs
__scs_entry_jumppad:
0x0: {  	(pc) =	sbr.rel $0x88, $3  }
0x1: {  	(tag) =	ssettag $0x0;
	lr =	simm.s32 $0x1  }
0x2: {  	[smem:$0x3F95] =	sst lr;
	_ =	strace $0xD0000000  }
0x3: {  	_ = 	snop  }
0x4: {  	_ = 	snop  }
0x5: {  	_ = 	snop  }
0x6: {  	_ = 	snop  }
0x7: {  	_ = 	snop  }
__scs_overlays_trampoline_lowered:
0x8: {  	[smem:$0x3FA4] =	sst s0  }
0x9: {  	[smem:$0x3FA5] =	sst s1  }
0xa: {  	[smem:$0x3FA6] =	sst s2  }
0xb: {  	[smem:$0x3FA7] =	sst s3  }
0xc: {  	[smem:$0x3FA8] =	sst s4  }
0xd: {  	[smem:$0x3FA9] =	sst s5  }
0xe: {  	[smem:$0x3FAA] =	sst s6  }
0xf: {  	[smem:$0x3FAB] =	sst s7  }
0x10: {  	[smem:$0x3FAC] =	sst s8  }
0x11: {  	[smem:$0x3FAD] =	sst s9;
	s0 =	simm.s32 @!p0 $0x0  }
0x12: {  	s1 =	sld [smem:$0x3F93];
	s0 =	simm.s32 @p0 $0x1  }
0x13: {  	[smem:$0x3FAE] =	sst s0;
	s0 =	simm.s32 @!p1 $0x0  }
0x14: {  	s2 =	sld [smem:$0x3F92];
	s0 =	simm.s32 @p1 $0x1  }
0x15: {  	[smem:$0x3FAF] =	sst s0;
	s0 =	simm.s32 @!p2 $0x0  }
0x16: {  	s3 =	sld [smem:$0x3FDB];
	s0 =	simm.s32 @p2 $0x1  }
0x17: {  	s4 =	simm.s32 $0x1BF5;
	[smem:$0x3FB1] =	sst s0  }
0x18: {  	s0 =	sld [smem:$0x3F94];
	_ =	swait.ge [sflag:s4], $0x0  }
0x19: {  	s7 =	sld [smem:$0x3F95]  }
0x1a: {  	s8 =	sadd.s32 $0xFFFFE003, lr  }
0x1b: {  	s9 =	sadd.s32 $0xFFFFFEF7, lr;
	s5 =	simm.s32 $0xFFFFFFFF;
	p2 =	slt.u32 s8, $0xFFFFF086  }
0x1c: {  	p1 =	slt.u32 s9, $0xF7A;
	s5 =	simm.s32 @!p2 $0x0  }
0x1d: {  	s5 =	simm.s32 @p1 $0x1;
	p0 =	seq.s32 s7, s2  }
0x1e: {  	s7 =	smul.u32 @!p0 $0xF7A, s2;
	p2 =	seq.s32 @!p0 s5, $0x0  }
0x1f: {  	s9 =	smul.u32 $0xF7A, s1;
	s8 =	simm.s32 @!p0 $0x1BF5;
	p2 =	por !p2, p0  }
0x20: {  	[sflag:s8] =	ssyncset.s32 @!p0 $0xFFFFF086;
	s6 =	sadd.s32 @!p0 s3, s7;
	s7 =	simm.s32 @!p0 $0x108  }
0x21: {  	s3 =	sadd.s32 s3, s9;
	s6 =	sadd.s32 @!p0 $0x88, s6;
	s7 =	simm.s32 @p2 $0x1082  }
0x22: {  	[simem:s7], [sflag:s8] =	dma.local @!p0 [hbm:s6], $0xF7A  }
0x23: {  	s9 =	sor.u32 $0xD0000000, s2;
	s6 =	simm.s32 $0x108;
	_ =	swait.ge @!p0 [sflag:s8], $0x0  }
0x24: {  	s3 =	sadd.s32 $0x88, s3;
	s6 =	simm.s32 @!p1 $0x1082;
	[sflag:s4] =	ssyncset.s32 $0xFFFFF086  }
0x25: {  	[simem:s6], [sflag:s4] =	dma.local [hbm:s3], $0xF7A  }
0x26: {  	[smem:$0x3F95] =	sst s1;
	(tag) =	ssettag s2;
	_ =	strace s9  }
0x27: {  	s1 =	sld [smem:$0x3FA5]  }
0x28: {  	s2 =	sld [smem:$0x3FA6]  }
0x29: {  	s4 =	sld [smem:$0x3FA8]  }
0x2a: {  	p0 =	seq.s32 s5, $0x0;
	s5 =	sld [smem:$0x3FA9]  }
0x2b: {  	s6 =	sld [smem:$0x3FAA]  }
0x2c: {  	s7 =	sld [smem:$0x3FAB]  }
0x2d: {  	s3 =	simm.s32 $0x108;
	s8 =	sld [smem:$0x3FAC]  }
0x2e: {  	s3 =	simm.s32 @!p0 $0x1082;
	s9 =	sld [smem:$0x3FAD]  }
0x2f: {  	lr =	sadd.s32 s0, s3;
	s0 =	sld [smem:$0x3FA4]  }
0x30: {  	s3 =	sld [smem:$0x3FA7]  }
0x31: {  	[smem:$0x3FB0] =	sst s10  }
0x32: {  	s10 =	sld [smem:$0x3FAE];
	_ =	sdelay $0x3  }
0x33: {  	p0 =	seq.s32 s10, $0x1;
	s10 =	sld [smem:$0x3FB0];
	_ =	sdelay $0x3  }
0x34: {  	[smem:$0x3FB0] =	sst s10  }
0x35: {  	s10 =	sld [smem:$0x3FAF];
	_ =	sdelay $0x3  }
0x36: {  	p1 =	seq.s32 s10, $0x1;
	s10 =	sld [smem:$0x3FB0];
	_ =	sdelay $0x3  }
0x37: {  	[smem:$0x3FB0] =	sst s10  }
0x38: {  	s10 =	sld [smem:$0x3FB1]  }
0x39: {  	_ = 	snop;
	(pc) =	sbr.ind lr, $3  }
0x3a: {  	_ = 	snop  }
0x3b: {  	_ = 	snop  }
0x3c: {  	p2 =	seq.s32 s10, $0x1;
	s10 =	sld [smem:$0x3FB0]  }
0x3d: {  	_ =	shalt  }
0x3e: {  	_ =	shalt  }
0x3f: {  	_ =	shalt  }
0x40: {  	_ =	shalt  }
0x41: {  	_ =	shalt  }
0x42: {  	_ =	shalt  }
0x43: {  	_ =	shalt  }
0x44: {  	_ =	shalt  }
0x45: {  	_ =	shalt  }
0x46: {  	_ =	shalt  }
0x47: {  	_ =	shalt  }
0x48: {  	_ =	shalt  }
0x49: {  	_ =	shalt  }
0x4a: {  	_ =	shalt  }
0x4b: {  	_ =	shalt  }
0x4c: {  	_ =	shalt  }
0x4d: {  	_ =	shalt  }
0x4e: {  	_ =	shalt  }
0x4f: {  	_ =	shalt  }
0x50: {  	_ =	shalt  }
0x51: {  	_ =	shalt  }
0x52: {  	_ =	shalt  }
0x53: {  	_ =	shalt  }
0x54: {  	_ =	shalt  }
0x55: {  	_ =	shalt  }
0x56: {  	_ =	shalt  }
0x57: {  	_ =	shalt  }
0x58: {  	_ =	shalt  }
0x59: {  	_ =	shalt  }
0x5a: {  	_ =	shalt  }
0x5b: {  	_ =	shalt  }
0x5c: {  	_ =	shalt  }
0x5d: {  	_ =	shalt  }
0x5e: {  	_ =	shalt  }
0x5f: {  	_ =	shalt  }
0x60: {  	_ =	shalt  }
0x61: {  	_ =	shalt  }
0x62: {  	_ =	shalt  }
0x63: {  	_ =	shalt  }
0x64: {  	_ =	shalt  }
0x65: {  	_ =	shalt  }
0x66: {  	_ =	shalt  }
0x67: {  	_ =	shalt  }
0x68: {  	_ =	shalt  }
0x69: {  	_ =	shalt  }
0x6a: {  	_ =	shalt  }
0x6b: {  	_ =	shalt  }
0x6c: {  	_ =	shalt  }
0x6d: {  	_ =	shalt  }
0x6e: {  	_ =	shalt  }
0x6f: {  	_ =	shalt  }
0x70: {  	_ =	shalt  }
0x71: {  	_ =	shalt  }
0x72: {  	_ =	shalt  }
0x73: {  	_ =	shalt  }
0x74: {  	_ =	shalt  }
0x75: {  	_ =	shalt  }
0x76: {  	_ =	shalt  }
0x77: {  	_ =	shalt  }
0x78: {  	_ =	shalt  }
0x79: {  	_ =	shalt  }
0x7a: {  	_ =	shalt  }
0x7b: {  	_ =	shalt  }
0x7c: {  	_ =	shalt  }
0x7d: {  	_ =	shalt  }
0x7e: {  	_ =	shalt  }
0x7f: {  	_ =	shalt  }
0x80: {  	_ =	shalt  }
0x81: {  	_ =	shalt  }
0x82: {  	_ =	shalt  }
0x83: {  	_ =	shalt  }
0x84: {  	_ =	shalt  }
0x85: {  	_ =	shalt  }
0x86: {  	_ =	shalt  }
0x87: {  	_ =	shalt  }
.Lfunc_end0:
.L_simem_size_0:
called_computation_lowered:
.L_overlay_start_0:
0x88: {  	s2 =	sld [smem:$0x3FD9]  }
0x89: {  	s3 =	sld [smem:$0x3FFE];
	_ =	sdelay $0x1  }
0x8a: {  	s1 =	srdreg.scid  }
0x8b: {  	s0 =	sand.u32 $0x1, s1  }
0x8c: {  	s17 =	sshll.u32 s0, $0xA;
	s2 =	sadd.s32 s3, s2  }
0x8d: {  	s2 =	sadd.s32 s2, s17  }
0x8e: {  	[smem:$0x3FBC] =	sst s2  }
0x8f: {  	_ = 	snop  }
0x90: {  	s18 =	sld [smem:$0x3FD0];
	(tm) =	ssettm $0x1  }
0x91: {  	s19 =	sld [smem:$0x3FFB];
	_ =	sdelay $0x3  }
0x92: {  	_ =	strace s19  }
0x93: {  	s2 =	sld [smem:$0x3FFC];
	_ =	sdelay $0x3  }
0x94: {  	_ =	strace s2  }
0x95: {  	s2 =	sld [smem:$0x3FFD];
	_ =	sdelay $0x3  }
0x96: {  	_ =	strace s2  }
0x97: {  	_ =	strace $0x8FFFFFFF  }
0x98: {  	s20 =	sld [smem:$0x3FDB];
	_ =	sdelay $0x1  }
0x99: {  	s4 =	simm.s32 $_scs_section_size  }
0x9a: {  	s5 =	simm.s32 $_size__tile_overlayer_lowered;
	s6 =	simm.s32 $_tile_overlayer_lowered  }
0x9b: {  	s7 =	simm.s32 $0x1BFF;
	s21 =	sshll.u32 s6, $0x1;
	s4 =	sadd.s32 s4, s20  }
0x9c: {  	s22 =	simm.s32 $0x0;
	s5 =	sshll.u32 s5, $0x1;
	s6 =	sadd.s32 s21, s4  }
0x9d: {  	[timem:s22], [sflag:s7] =	dma.local [hbm:s6], s5  }
0x9e: {  	_ =	swait.ge [sflag:s7], s5  }
0x9f: {  	s5 =	ssub.s32 $0x0, s5;
	[sflag:s7] =	ssyncset.done $0x0  }
0xa0: {  	[sflag:s7] =	ssyncadd.s32 s5;
	_ =	sdelay $0x1  }
0xa1: {  	s23 =	simm.s32 $0x1B8B  }
0xa2: {  	_ =	swait.ge [sflag:s23], $0x1  }
0xa3: {  	[sflag:s23] =	ssyncset.done $0x0  }
0xa4: {  	[sflag:s23] =	ssyncadd.s32 $0xFFFFFFFF  }
0xa5: {  	s5 =	sld [smem:$0x0]  }
0xa6: {  	s6 =	sand.u32 $0xFFFFFFFE, s1  }
0xa7: {  	p0 =	sne.s32 s1, s6  }
0xa8: {  	s6 =	sshll.u32 @p0 s6, $0xE  }
0xa9: {  	s6 =	sadd.s32 @p0 $0x11B8D, s6;
	s7 =	sshll.u32 @p0 s5, $0x11  }
0xaa: {  	s6 =	sor.u32 @p0 s7, s6  }
0xab: {  	[sflag:s6] =	ssyncadd.remote.s32 @p0 $0x1;
	_ =	sdelay $0x1  }
0xac: {  	s6 =	simm.s32 @p0 $0x1B8D  }
0xad: {  	_ =	swait.eq @p0 [sflag:s6], $0x1  }
0xae: {  	[sflag:s6] =	ssyncadd.s32 @p0 $0xFFFFFFFF  }
0xaf: {  	s7 =	sshll.u32 @!p0 s1, $0xE  }
0xb0: {  	s7 =	sor.u32 @!p0 $0x4000, s7;
	s6 =	simm.s32 @!p0 $0x1B8D  }
0xb1: {  	s5 =	sshll.u32 @!p0 s5, $0x11;
	s7 =	sadd.s32 @!p0 $0x11B8D, s7;
	_ =	swait.eq @!p0 [sflag:s6], $0x1  }
0xb2: {  	s5 =	sor.u32 @!p0 s5, s7;
	[sflag:s6] =	ssyncadd.s32 @!p0 $0xFFFFFFFF  }
0xb3: {  	s25 =	simm.s32 $0x1B8E;
	s24 =	sld [smem:$0x3FFE];
	[sflag:s5] =	ssyncadd.remote.s32 @!p0 $0x1  }
0xb4: {  	s26 =	simm.s32 $execute0_lowered;
	[smem:$0x3FD2] =	sst s25  }
0xb5: {  	s6 =	sshll.u32 s26, $0x1;
	_ =	strace $0x80000049;
	[dreg:$0x1] =	wrdreg $0xFFFFFFFF  }
0xb6: {  	s28 =	simm.s32 $_size_execute0_lowered;
	s4 =	sadd.s32 s4, s6;
	[dreg:$0x0] =	wrdreg $0x0  }
0xb7: {  	s6 =	sshll.u32 s28, $0x1;
	[dreg:$0x2] =	wrdreg s4  }
0xb8: {  	[dreg:$0x3] =	wrdreg s6  }
0xb9: {  	[dreg:$0x4] =	wrdreg $0xC0  }
0xba: {  	_ =	task [dreg:s22], $0x5FFFF  }
0xbb: {  	[dreg:$0x1] =	wrdreg $0xFFFFFFFF  }
0xbc: {  	[dreg:$0x0] =	wrdreg $0x60  }
0xbd: {  	[dreg:$0x2] =	wrdreg s18  }
0xbe: {  	[dreg:$0x3] =	wrdreg s24  }
0xbf: {  	[dreg:$0x4] =	wrdreg $0x54000  }
0xc0: {  	[dreg:$0x5] =	wrdreg $0x9  }
0xc1: {  	_ =	task.clear_ibuf [dreg:s22], $0x6FFFF;
	_ =	strace $0x90000049  }
0xc2: {  	s29 =	simm.s32 $0x9;
	_ =	strace $0x8000004B  }
0xc3: {  	_ =	swait.ge [sflag:s29], $0x1  }
0xc4: {  	[sflag:s29] =	ssyncadd.s32 $0xFFFFFFFF  }
0xc5: {  	_ =	strace $0x9000004B  }
0xc6: {  	_ =	sfence  }
0xc7: {  	s30 =	sld [smem:$0x0];
	_ =	sdelay $0x2  }
0xc8: {  	s31 =	sshll.u32 s1, $0xD;
	s1 =	sshrl.u32 s1, $0x2  }
0xc9: {  	s4 =	sand.u32 $0x4000, s31;
	s1 =	sadd.s32 s1, s30  }
0xca: {  	s0 =	sor.u32 s4, s0;
	s1 =	sshll.u32 s1, $0x11  }
0xcb: {  	s0 =	sor.u32 s1, s0  }
0xcc: {  	s0 =	sadd.s32 $0x8F2B, s0  }
0xcd: {  	[sflag:s0] =	ssyncadd.remote.s32 $0x1  }
0xce: {  	_ =	sfence.sel $0xFFFF  }
0xcf: {  	[dreg:$0x0] =	wrdreg $0xFFFFFFFF;
	(pc) =	sbr.abs _section_cstart, $3  }
0xd0: {  	[dreg:$0x1] =	wrdreg $0xFFFFFFFF  }
0xd1: {  	_ =	task.clear_ibuf [dreg:s22], $0x2FFFF;
	_ =	strace $0x9FFFFFFF  }
0xd2: {  	(tm) =	ssettm $0x7FFFFFFF  }
0xd3: {  	_ =	shalt  }
tec
execute0_lowered:
.L_overlay_start_1:
0x0: {  	(tag) =	ssettag $0x1  }
0x1: {  	s6 =	rddreg [dreg:$0x0]  }
0x2: {  	s5 =	rddreg [dreg:$0x1]  }
0x3: {  	s2 =	rddreg [dreg:$0x2]  }
0x4: {  	s1 =	stileid.u32;
	s0 =	rddreg [dreg:$0x3];
	s3 =	simm.s32 $0x0  }
0x5: {  	s4 =	srdreg.scid;
	s13 =	simm.s32 $0x7D;
	s14 =	simm.s32 $0x0  }
0x6: {  	s7 =	smul.u32 $0x2800, s1;
	[smem:$0x7FF] =	sst s3;
	s9 =	sand.u32 $0x1, s4  }
0x7: {  	s4 =	sadd.s32 $0xDE000, s5;
	s12 =	smul.u32 $0x50000, s1;
	s31 =	sshll.u32 s1, $0x6  }
0x8: {  	_ =	strace $0x8000004A;
	s10 =	smul.u32 $0x28000, s9;
	s11 =	sshll.u32 s9, $0x4  }
0x9: {  	s9 =	ssub.s32 $0x2, s9;
	s8 =	sadd.s32 s7, s5;
	s11 =	sor.u32 s1, s11  }
0xa: {  	s29 =	sshrl.u32 s9, $0x1;
	s30 =	sshrl.u32 s12, $0x2;
	s7 =	sadd.s32 s7, s10  }
0xb: {  	s11 =	smul.u32 $0x280, s11;
	s9 =	ssub.s32 s9, s29;
	s12 =	sadd.s32 s30, s2  }
0xc: {  	s10 =	simm.s32 $0x1;
	s7 =	sadd.s32 s7, s5;
	s5 =	sadd.s32 $0x66000, s8  }
0xd: {  	s8 =	smax.u32 s9, $0x1;
	s9 =	simm.s32 $0x1400;
	s12 =	sshrl.u32 s12, $0x3  }
0xe: {  	s6 =	sadd.s32 s6, s11;
	s7 =	sadd.s32 $0xDE800, s7;
	s11 =	sor.u32 $0x1C01, s31  }
.LBB2_1:
0xf: {  	[tilespmem:s9], [sflag:$0x1] =	stream.linear.gather [hbm4b:s4+s3], $0x3E80, $0x38;
	[tilespmem:$0x19400] =	vst v63  }
0x10: {  	_ =	swait.ge [sflag:s10], $0x3E80  }
0x11: {  	[sflag:s10] =	ssyncset.done $0x0  }
0x12: {  	[sflag:s10] =	ssyncadd.s32 $0xFFFFC180  }
0x13: {  	[spmem:s12], [sflag:s11] =	dma.local [hbm:s5], $0x2800  }
0x14: {  	_ =	swait.ge [sflag:s10], $0x2800  }
0x15: {  	[sflag:s10] =	ssyncset.done $0x0  }
0x16: {  	[sflag:s10] =	ssyncadd.s32 $0xFFFFD800  }
0x17: {  	[tilespmem:s3], [sflag:$0x1] =	stream.linear.gather [hbm4b:s6+s3], $0x1400, $0x38;
	[tilespmem:$0x19400] =	vst v63  }
0x18: {  	_ =	swait.ge [sflag:s10], $0x1400  }
0x19: {  	[sflag:s10] =	ssyncset.done $0x0  }
0x1a: {  	[sflag:s10] =	ssyncadd.s32 $0xFFFFEC00  }
0x1b: {  	s15 =	simm.s32 $0x0;
	[bflag:$0x0] =	sbarrier.arrive $0xFFFF  }
0x1c: {  	[spmem:s2] =	stream.indirect.scatter.add.f32 [tilespmem:s9], [sflag:$0x1], $0x80, s15, s13, $0xb8;
	[tilespmem:$0x19400] =	vst v63  }
0x1d: {  	_ =	swait.ge [sflag:s10], $0x3E80  }
0x1e: {  	s15 =	simm.s32 $0x200;
	[sflag:s10] =	ssyncset.done $0x0  }
.LBB2_2:
0x1f: {  	s16 =	sshra.s32 s15, $0x2;
	[sflag:s10] =	ssyncadd.s32 $0xFFFFC180;
	p0 =	sne.s32 s15, $0x4E00  }
0x20: {  	[spmem:s2] =	stream.indirect.scatter.add.f32 [tilespmem:s9], [sflag:$0x1], $0x80, s16, s13, $0xb8;
	[tilespmem:$0x19400] =	vst v63  }
.Ltmp0:
0x21: {  	_ = 	snop;
	(pc) =	sbr.rel @p0 .LBB2_2-.Ltmp0, $4  }
0x22: {  	_ = 	snop  }
0x23: {  	s15 =	sadd.s32 $0x200, s15  }
0x24: {  	_ =	swait.ge [sflag:s10], $0x3E80  }
0x25: {  	[sflag:s10] =	ssyncset.done $0x0  }
0x26: {  	s14 =	sadd.s32 $0x1, s14  }
0x27: {  	[sflag:s10] =	ssyncadd.s32 $0xFFFFC180;
	p0 =	sne.s32 s14, s8  }
.Ltmp1:
0x28: {  	[bflag:$0x0] =	sbarrier.arrive $0xFFFF;
	(pc) =	sbr.rel @p0 .LBB2_1-.Ltmp1, $4  }
0x29: {  	[hbm:s7], [sflag:s11] =	dma.local [spmem:s12], $0x2800  }
0x2a: {  	_ =	swait.ge [sflag:s10], $0x2800  }
0x2b: {  	[sflag:s10] =	ssyncset.done $0x0  }
0x2c: {  	[sflag:s10] =	ssyncadd.s32 $0xFFFFD800  }
0x2d: {  	_ =	sfence.sel $0x180000  }
0x2e: {  	[bflag:$0x0] =	sbarrier.arrive $0xFFFF  }
0x2f: {  	p0 =	sne.s32 s1, $0x0;
	_ =	strace $0x9000004A  }
0x30: {  	s0 =	sadd.s32 @!p0 $0x100000, s0;
	[bflag:$0x2] =	sbarrier.arrive $0xFFFF  }
0x31: {  	[sflag:s0] =	ssyncadd.tile.s32 @!p0 $0x1;
	_ =	shalt  }
.Lfunc_end2:
_tile_overlayer_lowered:
.L_overlay_start_2:
0x32: {  	(tag) =	ssettag $0x2  }
0x33: {  	s0 =	rddreg [dreg:$0x0];
	s2 =	stileid.u32  }
0x34: {  	s1 =	rddreg [dreg:$0x1];
	p0 =	sne.s32 s2, $0x0  }
0x35: {  	s3 =	rddreg [dreg:$0x2];
	[bflag:$0x3] =	sbarrier.arrive $0xFFFF;
	s2 =	simm.s32 @!p0 $0x1C01  }
0x36: {  	[timem:s3], [sflag:s2] =	dma.local @!p0 [hbm:s0], s1  }
0x37: {  	s0 =	simm.s32 @!p0 $0x1  }
0x38: {  	_ =	swait.ge @!p0 [sflag:s0], s1  }
0x39: {  	s1 =	ssub.s32 @!p0 $0x0, s1;
	[sflag:s0] =	ssyncset.done @!p0 $0x0  }
0x3a: {  	[sflag:s0] =	ssyncadd.s32 @!p0 s1  }
0x3b: {  	[bflag:$0x3] =	sbarrier.arrive $0xFFFF  }
0x3c: {  	_ =	shalt  }

</sc_bundles>
